<compile_context>
chip_gen: v7x
topology: tpu7x:2x2x1
jax: 0.10.2.dev20260603
libtpu: 0.0.44.dev20260713+nightly
codegen_flags: <defaults>
</compile_context>

<pallas_src>
import functools

import jax
import jax.numpy as jnp
from jax import lax
from jax.experimental import pallas as pl
from jax.experimental.pallas import tpu as pltpu
from jax.experimental.pallas import tpu_sc as plsc

ROWS_PER_CHUNK = 4
NW = 32
LANES = 128
SUB = 8


@functools.lru_cache(maxsize=None)
def _build(num_rows: int, seq: int):
    seq_pad = (seq + SUB - 1) // SUB * SUB
    rows_per_w = num_rows // NW
    chunks = rows_per_w // ROWS_PER_CHUNK

    mesh = plsc.VectorSubcoreMesh(core_axis_name="c", subcore_axis_name="s")

    @functools.partial(
        pl.kernel,
        mesh=mesh,
        out_type=jax.ShapeDtypeStruct((num_rows, seq_pad, LANES), jnp.float32),
        scratch_types=[
            pltpu.VMEM((rows_per_w, seq), jnp.int32),
            pltpu.VMEM((ROWS_PER_CHUNK, seq_pad, LANES), jnp.float32),
            pltpu.VMEM((ROWS_PER_CHUNK, seq_pad, LANES), jnp.float32),
            pltpu.SemaphoreType.DMA,
            pltpu.SemaphoreType.DMA,
            pltpu.SemaphoreType.DMA,
            pltpu.SemaphoreType.DMA,
        ],
        compiler_params=pltpu.CompilerParams(use_tc_tiling_on_sc=True),
    )
    def gather_kernel(idx_hbm, table_hbm, out_hbm, idx_v, rows0, rows1,
                      gsem0, gsem1, ssem0, ssem1):
        wid = lax.axis_index("s") * 2 + lax.axis_index("c")
        row_base = wid * rows_per_w
        bufs = (rows0, rows1)
        gsems = (gsem0, gsem1)
        ssems = (ssem0, ssem1)

        pltpu.sync_copy(idx_hbm.at[pl.ds(row_base, rows_per_w)], idx_v)

        def fire_gathers(g, b):
            for j in range(ROWS_PER_CHUNK):
                pltpu.async_copy(
                    table_hbm.at[idx_v.at[g * ROWS_PER_CHUNK + j]],
                    bufs[b].at[j, pl.ds(0, seq)],
                    gsems[b],
                )

        def drain_gathers(b):
            for j in range(ROWS_PER_CHUNK):
                pltpu.make_async_copy(
                    table_hbm.at[idx_v.at[0]],
                    bufs[b].at[j, pl.ds(0, seq)],
                    gsems[b],
                ).wait()

        def store_chunk(g, b):
            pltpu.async_copy(
                bufs[b],
                out_hbm.at[pl.ds(row_base + g * ROWS_PER_CHUNK, ROWS_PER_CHUNK)],
                ssems[b],
            )

        def wait_store(b):
            pltpu.make_async_copy(
                bufs[b],
                out_hbm.at[pl.ds(row_base, ROWS_PER_CHUNK)],
                ssems[b],
            ).wait()

        fire_gathers(0, 0)

        def body(i, carry):
            for b in range(2):
                g = 2 * i + b
                nb = 1 - b
                @pl.when(g >= 1)
                def _():
                    wait_store(nb)

                @pl.when(g + 1 < chunks)
                def _():
                    fire_gathers(g + 1, nb)

                drain_gathers(b)
                store_chunk(g, b)
            return carry

        lax.fori_loop(0, chunks // 2, body, 0)

        wait_store((chunks - 1) % 2)

    return gather_kernel


def kernel(input_, weight):
    b, s = input_.shape
    d = weight.shape[1]
    wpad = jnp.pad(weight, ((0, 0), (0, LANES - d)))
    outp = _build(b, s)(input_.astype(jnp.int32), wpad)
    return outp[:, :s, :d]

# --- scband reference (transcript-rebuilt; emitter-appended) ---
"""Pipeline reference for scband-vocab-parallel-embedding-5669356832537 (READ-ONLY COPY).

The authoritative reference and input builder live on the scoring server;
editing this copy changes nothing except your own understanding.
"""

import jax, jax.numpy as jnp
import numpy as np

NUM_EMBEDDINGS = 1000000
EMBEDDING_DIM = 64
VOCAB_START = 0
VOCAB_END = NUM_EMBEDDINGS  # world_size == 1 simulation


def setup_inputs(seed: int = 0) -> dict:
    key = jax.random.key(seed)
    k_idx, k_w = jax.random.split(key)
    input_ = jax.random.randint(k_idx, (16384, 50), 0, NUM_EMBEDDINGS, dtype=jnp.int64 if jax.config.jax_enable_x64 else jnp.int32)
    # xavier_normal init for the embedding table (fan_in=embedding_dim, fan_out=num_embeddings)
    std = float(np.sqrt(2.0 / (NUM_EMBEDDINGS + EMBEDDING_DIM)))
    weight = jax.random.normal(k_w, (NUM_EMBEDDINGS, EMBEDDING_DIM), dtype=jnp.float32) * std
    return {"input_": input_, "weight": weight}


def reference(input_, weight):
    # Mask out-of-partition indices (with world_size==1 the mask is all False,
    # but keep the computation faithful to the torch module).
    input_mask = (input_ < VOCAB_START) | (input_ >= VOCAB_END)
    masked_input = jnp.where(input_mask, 0, input_ - VOCAB_START)
    # F.embedding -> gather rows of the table
    output_parallel = jnp.take(weight, masked_input, axis=0)
    # zero out rows corresponding to out-of-partition indices
    output_parallel = jnp.where(input_mask[..., None], 0.0, output_parallel)
    # reduce_from_model_parallel_region is identity for world_size == 1
    return output_parallel

if __name__ == "__main__":
    import jax
    _d = setup_inputs()
    print(jax.jit(kernel)(*tuple(_d.values())))

</pallas_src>

<mosaic_0001>
#map = affine_map<(d0, d1) -> (0, 0)>
#map1 = affine_map<(d0, d1) -> (0, 0, 0)>
module attributes {stable_mosaic.version = 14 : i64} {
  func.func @gather_kernel(%arg0: i32, %arg1: i32, %arg2: memref<16384x50xi32, #tpu.memory_space<hbm>>, %arg3: memref<1000000x128xf32, #tpu.memory_space<hbm>>, %arg4: memref<16384x56x128xf32, #tpu.memory_space<hbm>>, %arg5: memref<512x50xi32, #tpu.memory_space<vmem>>, %arg6: memref<4x56x128xf32, #tpu.memory_space<vmem>>, %arg7: memref<4x56x128xf32, #tpu.memory_space<vmem>>, %arg8: memref<!tpu.dma_semaphore, #tpu.memory_space<semaphore_mem>>, %arg9: memref<!tpu.dma_semaphore, #tpu.memory_space<semaphore_mem>>, %arg10: memref<!tpu.dma_semaphore, #tpu.memory_space<semaphore_mem>>, %arg11: memref<!tpu.dma_semaphore, #tpu.memory_space<semaphore_mem>>) attributes {dimension_semantics = [#tpu.dimension_semantics<core_parallel>, #tpu.dimension_semantics<subcore_parallel>], iteration_bounds = array<i64: 2, 16>, scalar_prefetch = 0 : i64, scratch_operands = 7 : i64, tpu.core_type = #tpu.core_type<sc_vector_subcore>, window_params = [{transform_indices = #map}, {transform_indices = #map}, {transform_indices = #map1}]} {
    %mul3A = arith.constant 2 : i32
    %mul3A_0 = arith.muli %arg1, %mul3A : i32
    %add3A = arith.addi %mul3A_0, %arg0 : i32
    %mul3A_1 = arith.constant 512 : i32
    %mul3A_2 = arith.muli %add3A, %mul3A_1 : i32
    "tpu.region"() ({
      %run_scoped3A = tpu.sem_alloc : memref<!tpu.dma_semaphore, #tpu.memory_space<semaphore_mem>>
      %dma_start3A_60 = arith.constant 0 : i32
      %dma_start3A_61 = tpu.memref_slice %arg2[%mul3A_2, %dma_start3A_60] : memref<16384x50xi32, #tpu.memory_space<hbm>> -> memref<512x50xi32, #tpu.memory_space<hbm>>
      %dma_start3A_62 = arith.constant 0 : i32
      %dma_start3A_63 = tpu.memref_slice %arg2[%mul3A_2, %dma_start3A_62] : memref<16384x50xi32, #tpu.memory_space<hbm>> -> memref<512x50xi32, #tpu.memory_space<hbm>>
      tpu.enqueue_dma source(%dma_start3A_63 : memref<512x50xi32, #tpu.memory_space<hbm>>) target(%arg5 : memref<512x50xi32, #tpu.memory_space<vmem>>) target_semaphore(%run_scoped3A : memref<!tpu.dma_semaphore, #tpu.memory_space<semaphore_mem>>)
      %dma_wait3A_64 = arith.constant 0 : i32
      %dma_wait3A_65 = tpu.memref_slice %arg2[%mul3A_2, %dma_wait3A_64] : memref<16384x50xi32, #tpu.memory_space<hbm>> -> memref<512x50xi32, #tpu.memory_space<hbm>>
      %dma_wait3A_66 = arith.constant 0 : i32
      %dma_wait3A_67 = tpu.memref_slice %arg2[%mul3A_2, %dma_wait3A_66] : memref<16384x50xi32, #tpu.memory_space<hbm>> -> memref<512x50xi32, #tpu.memory_space<hbm>>
      tpu.wait_dma2 semaphore(%run_scoped3A : memref<!tpu.dma_semaphore, #tpu.memory_space<semaphore_mem>>) src(%dma_wait3A_67 : memref<512x50xi32, #tpu.memory_space<hbm>>) dst(%arg5 : memref<512x50xi32, #tpu.memory_space<vmem>>)
      tpu.yield
    }) : () -> ()
    %dma_start3A = arith.constant 0 : i32
    %dma_start3A_3 = arith.constant 0 : i32
    %dma_start3A_4 = arith.constant 0 : i32
    %dma_start3A_5 = arith.constant 0 : i32
    %dma_start3A_6 = tpu.memref_slice %arg6[%dma_start3A_3, %dma_start3A_4, %dma_start3A_5] : memref<4x56x128xf32, #tpu.memory_space<vmem>> -> memref<1x50x128xf32, #tpu.memory_space<vmem>>
    %dma_start3A_7 = tpu.memref_squeeze %dma_start3A_6 : memref<1x50x128xf32, #tpu.memory_space<vmem>> -> memref<50x128xf32, #tpu.memory_space<vmem>>
    %dma_start3A_8 = arith.constant 0 : i32
    %dma_start3A_9 = tpu.memref_slice %arg5[%dma_start3A, %dma_start3A_8] : memref<512x50xi32, #tpu.memory_space<vmem>> -> memref<1x50xi32, #tpu.memory_space<vmem>>
    %dma_start3A_10 = tpu.memref_squeeze %dma_start3A_9 : memref<1x50xi32, #tpu.memory_space<vmem>> -> memref<50xi32, #tpu.memory_space<vmem>>
    %dma_start3A_11 = arith.constant 0 : i32
    %dma_start3A_12 = arith.constant 0 : i32
    %dma_start3A_13 = tpu.memref_slice %arg3[%dma_start3A_11, %dma_start3A_12] : memref<1000000x128xf32, #tpu.memory_space<hbm>> -> memref<1000000x128xf32, #tpu.memory_space<hbm>>
    tpu.enqueue_indirect_dma source(%dma_start3A_13 : memref<1000000x128xf32, #tpu.memory_space<hbm>>) target(%dma_start3A_7 : memref<50x128xf32, #tpu.memory_space<vmem>>) offsets(%dma_start3A_10 : memref<50xi32, #tpu.memory_space<vmem>>) semaphore(%arg8 : memref<!tpu.dma_semaphore, #tpu.memory_space<semaphore_mem>>)
    %dma_start3A_14 = arith.constant 1 : i32
    %dma_start3A_15 = arith.constant 1 : i32
    %dma_start3A_16 = arith.constant 0 : i32
    %dma_start3A_17 = arith.constant 0 : i32
    %dma_start3A_18 = tpu.memref_slice %arg6[%dma_start3A_15, %dma_start3A_16, %dma_start3A_17] : memref<4x56x128xf32, #tpu.memory_space<vmem>> -> memref<1x50x128xf32, #tpu.memory_space<vmem>>
    %dma_start3A_19 = tpu.memref_squeeze %dma_start3A_18 : memref<1x50x128xf32, #tpu.memory_space<vmem>> -> memref<50x128xf32, #tpu.memory_space<vmem>>
    %dma_start3A_20 = arith.constant 0 : i32
    %dma_start3A_21 = tpu.memref_slice %arg5[%dma_start3A_14, %dma_start3A_20] : memref<512x50xi32, #tpu.memory_space<vmem>> -> memref<1x50xi32, #tpu.memory_space<vmem>>
    %dma_start3A_22 = tpu.memref_squeeze %dma_start3A_21 : memref<1x50xi32, #tpu.memory_space<vmem>> -> memref<50xi32, #tpu.memory_space<vmem>>
    %dma_start3A_23 = arith.constant 0 : i32
    %dma_start3A_24 = arith.constant 0 : i32
    %dma_start3A_25 = tpu.memref_slice %arg3[%dma_start3A_23, %dma_start3A_24] : memref<1000000x128xf32, #tpu.memory_space<hbm>> -> memref<1000000x128xf32, #tpu.memory_space<hbm>>
    tpu.enqueue_indirect_dma source(%dma_start3A_25 : memref<1000000x128xf32, #tpu.memory_space<hbm>>) target(%dma_start3A_19 : memref<50x128xf32, #tpu.memory_space<vmem>>) offsets(%dma_start3A_22 : memref<50xi32, #tpu.memory_space<vmem>>) semaphore(%arg8 : memref<!tpu.dma_semaphore, #tpu.memory_space<semaphore_mem>>)
    %dma_start3A_26 = arith.constant 2 : i32
    %dma_start3A_27 = arith.constant 2 : i32
    %dma_start3A_28 = arith.constant 0 : i32
    %dma_start3A_29 = arith.constant 0 : i32
    %dma_start3A_30 = tpu.memref_slice %arg6[%dma_start3A_27, %dma_start3A_28, %dma_start3A_29] : memref<4x56x128xf32, #tpu.memory_space<vmem>> -> memref<1x50x128xf32, #tpu.memory_space<vmem>>
    %dma_start3A_31 = tpu.memref_squeeze %dma_start3A_30 : memref<1x50x128xf32, #tpu.memory_space<vmem>> -> memref<50x128xf32, #tpu.memory_space<vmem>>
    %dma_start3A_32 = arith.constant 0 : i32
    %dma_start3A_33 = tpu.memref_slice %arg5[%dma_start3A_26, %dma_start3A_32] : memref<512x50xi32, #tpu.memory_space<vmem>> -> memref<1x50xi32, #tpu.memory_space<vmem>>
    %dma_start3A_34 = tpu.memref_squeeze %dma_start3A_33 : memref<1x50xi32, #tpu.memory_space<vmem>> -> memref<50xi32, #tpu.memory_space<vmem>>
    %dma_start3A_35 = arith.constant 0 : i32
    %dma_start3A_36 = arith.constant 0 : i32
    %dma_start3A_37 = tpu.memref_slice %arg3[%dma_start3A_35, %dma_start3A_36] : memref<1000000x128xf32, #tpu.memory_space<hbm>> -> memref<1000000x128xf32, #tpu.memory_space<hbm>>
    tpu.enqueue_indirect_dma source(%dma_start3A_37 : memref<1000000x128xf32, #tpu.memory_space<hbm>>) target(%dma_start3A_31 : memref<50x128xf32, #tpu.memory_space<vmem>>) offsets(%dma_start3A_34 : memref<50xi32, #tpu.memory_space<vmem>>) semaphore(%arg8 : memref<!tpu.dma_semaphore, #tpu.memory_space<semaphore_mem>>)
    %dma_start3A_38 = arith.constant 3 : i32
    %dma_start3A_39 = arith.constant 3 : i32
    %dma_start3A_40 = arith.constant 0 : i32
    %dma_start3A_41 = arith.constant 0 : i32
    %dma_start3A_42 = tpu.memref_slice %arg6[%dma_start3A_39, %dma_start3A_40, %dma_start3A_41] : memref<4x56x128xf32, #tpu.memory_space<vmem>> -> memref<1x50x128xf32, #tpu.memory_space<vmem>>
    %dma_start3A_43 = tpu.memref_squeeze %dma_start3A_42 : memref<1x50x128xf32, #tpu.memory_space<vmem>> -> memref<50x128xf32, #tpu.memory_space<vmem>>
    %dma_start3A_44 = arith.constant 0 : i32
    %dma_start3A_45 = tpu.memref_slice %arg5[%dma_start3A_38, %dma_start3A_44] : memref<512x50xi32, #tpu.memory_space<vmem>> -> memref<1x50xi32, #tpu.memory_space<vmem>>
    %dma_start3A_46 = tpu.memref_squeeze %dma_start3A_45 : memref<1x50xi32, #tpu.memory_space<vmem>> -> memref<50xi32, #tpu.memory_space<vmem>>
    %dma_start3A_47 = arith.constant 0 : i32
    %dma_start3A_48 = arith.constant 0 : i32
    %dma_start3A_49 = tpu.memref_slice %arg3[%dma_start3A_47, %dma_start3A_48] : memref<1000000x128xf32, #tpu.memory_space<hbm>> -> memref<1000000x128xf32, #tpu.memory_space<hbm>>
    tpu.enqueue_indirect_dma source(%dma_start3A_49 : memref<1000000x128xf32, #tpu.memory_space<hbm>>) target(%dma_start3A_43 : memref<50x128xf32, #tpu.memory_space<vmem>>) offsets(%dma_start3A_46 : memref<50xi32, #tpu.memory_space<vmem>>) semaphore(%arg8 : memref<!tpu.dma_semaphore, #tpu.memory_space<semaphore_mem>>)
    %scan3A = arith.constant 0 : i32
    %scan3A_50 = arith.constant 0 : i32
    %scan3A_51 = arith.constant 64 : i32
    %scan3A_52 = arith.addi %scan3A_50, %scan3A_51 : i32
    %scan3A_53 = arith.constant 1 : i32
    scf.for %scan3A_60 = %scan3A_50 to %scan3A_52 step %scan3A_53  : i32 {
      %mul3A_61 = arith.constant 2 : i32
      %mul3A_62 = arith.muli %mul3A_61, %scan3A_60 : i32
      %add3A_63 = arith.constant 0 : i32
      %add3A_64 = arith.addi %mul3A_62, %add3A_63 : i32
      %ge3A = arith.constant 1 : i32
      %ge3A_65 = arith.cmpi sge, %add3A_64, %ge3A : i32
      %convert_element_type3A = arith.extui %ge3A_65 : i1 to i32
      %cond3A = arith.constant 0 : i32
      %cond3A_66 = arith.cmpi ne, %convert_element_type3A, %cond3A : i32
      scf.if %cond3A_66 {
        %dma_wait3A_203 = arith.constant 0 : i32
        %dma_wait3A_204 = arith.constant 0 : i32
        %dma_wait3A_205 = tpu.memref_slice %arg4[%mul3A_2, %dma_wait3A_203, %dma_wait3A_204] : memref<16384x56x128xf32, #tpu.memory_space<hbm>> -> memref<4x56x128xf32, #tpu.memory_space<hbm>>
        %dma_wait3A_206 = arith.constant 0 : i32
        %dma_wait3A_207 = arith.constant 0 : i32
        %dma_wait3A_208 = tpu.memref_slice %arg4[%mul3A_2, %dma_wait3A_206, %dma_wait3A_207] : memref<16384x56x128xf32, #tpu.memory_space<hbm>> -> memref<4x56x128xf32, #tpu.memory_space<hbm>>
        tpu.wait_dma2 semaphore(%arg11 : memref<!tpu.dma_semaphore, #tpu.memory_space<semaphore_mem>>) src(%arg7 : memref<4x56x128xf32, #tpu.memory_space<vmem>>) dst(%dma_wait3A_208 : memref<4x56x128xf32, #tpu.memory_space<hbm>>)
      } else {
      }
      %add3A_67 = arith.constant 1 : i32
      %add3A_68 = arith.addi %add3A_64, %add3A_67 : i32
      %lt3A = arith.constant 128 : i32
      %lt3A_69 = arith.cmpi slt, %add3A_68, %lt3A : i32
      %convert_element_type3A_70 = arith.extui %lt3A_69 : i1 to i32
      %cond3A_71 = arith.constant 0 : i32
      %cond3A_72 = arith.cmpi ne, %convert_element_type3A_70, %cond3A_71 : i32
      scf.if %cond3A_72 {
        %add3A_203 = arith.constant 1 : i32
        %add3A_204 = arith.addi %add3A_64, %add3A_203 : i32
        %mul3A_205 = arith.constant 4 : i32
        %mul3A_206 = arith.muli %add3A_204, %mul3A_205 : i32
        %add3A_207 = arith.constant 0 : i32
        %add3A_208 = arith.addi %mul3A_206, %add3A_207 : i32
        %dma_start3A_209 = arith.constant 0 : i32
        %dma_start3A_210 = arith.constant 0 : i32
        %dma_start3A_211 = arith.constant 0 : i32
        %dma_start3A_212 = tpu.memref_slice %arg7[%dma_start3A_209, %dma_start3A_210, %dma_start3A_211] : memref<4x56x128xf32, #tpu.memory_space<vmem>> -> memref<1x50x128xf32, #tpu.memory_space<vmem>>
        %dma_start3A_213 = tpu.memref_squeeze %dma_start3A_212 : memref<1x50x128xf32, #tpu.memory_space<vmem>> -> memref<50x128xf32, #tpu.memory_space<vmem>>
        %dma_start3A_214 = arith.constant 0 : i32
        %dma_start3A_215 = tpu.memref_slice %arg5[%add3A_208, %dma_start3A_214] : memref<512x50xi32, #tpu.memory_space<vmem>> -> memref<1x50xi32, #tpu.memory_space<vmem>>
        %dma_start3A_216 = tpu.memref_squeeze %dma_start3A_215 : memref<1x50xi32, #tpu.memory_space<vmem>> -> memref<50xi32, #tpu.memory_space<vmem>>
        %dma_start3A_217 = arith.constant 0 : i32
        %dma_start3A_218 = arith.constant 0 : i32
        %dma_start3A_219 = tpu.memref_slice %arg3[%dma_start3A_217, %dma_start3A_218] : memref<1000000x128xf32, #tpu.memory_space<hbm>> -> memref<1000000x128xf32, #tpu.memory_space<hbm>>
        tpu.enqueue_indirect_dma source(%dma_start3A_219 : memref<1000000x128xf32, #tpu.memory_space<hbm>>) target(%dma_start3A_213 : memref<50x128xf32, #tpu.memory_space<vmem>>) offsets(%dma_start3A_216 : memref<50xi32, #tpu.memory_space<vmem>>) semaphore(%arg9 : memref<!tpu.dma_semaphore, #tpu.memory_space<semaphore_mem>>)
        %mul3A_220 = arith.constant 4 : i32
        %mul3A_221 = arith.muli %add3A_204, %mul3A_220 : i32
        %add3A_222 = arith.constant 1 : i32
        %add3A_223 = arith.addi %mul3A_221, %add3A_222 : i32
        %dma_start3A_224 = arith.constant 1 : i32
        %dma_start3A_225 = arith.constant 0 : i32
        %dma_start3A_226 = arith.constant 0 : i32
        %dma_start3A_227 = tpu.memref_slice %arg7[%dma_start3A_224, %dma_start3A_225, %dma_start3A_226] : memref<4x56x128xf32, #tpu.memory_space<vmem>> -> memref<1x50x128xf32, #tpu.memory_space<vmem>>
        %dma_start3A_228 = tpu.memref_squeeze %dma_start3A_227 : memref<1x50x128xf32, #tpu.memory_space<vmem>> -> memref<50x128xf32, #tpu.memory_space<vmem>>
        %dma_start3A_229 = arith.constant 0 : i32
        %dma_start3A_230 = tpu.memref_slice %arg5[%add3A_223, %dma_start3A_229] : memref<512x50xi32, #tpu.memory_space<vmem>> -> memref<1x50xi32, #tpu.memory_space<vmem>>
        %dma_start3A_231 = tpu.memref_squeeze %dma_start3A_230 : memref<1x50xi32, #tpu.memory_space<vmem>> -> memref<50xi32, #tpu.memory_space<vmem>>
        %dma_start3A_232 = arith.constant 0 : i32
        %dma_start3A_233 = arith.constant 0 : i32
        %dma_start3A_234 = tpu.memref_slice %arg3[%dma_start3A_232, %dma_start3A_233] : memref<1000000x128xf32, #tpu.memory_space<hbm>> -> memref<1000000x128xf32, #tpu.memory_space<hbm>>
        tpu.enqueue_indirect_dma source(%dma_start3A_234 : memref<1000000x128xf32, #tpu.memory_space<hbm>>) target(%dma_start3A_228 : memref<50x128xf32, #tpu.memory_space<vmem>>) offsets(%dma_start3A_231 : memref<50xi32, #tpu.memory_space<vmem>>) semaphore(%arg9 : memref<!tpu.dma_semaphore, #tpu.memory_space<semaphore_mem>>)
        %mul3A_235 = arith.constant 4 : i32
        %mul3A_236 = arith.muli %add3A_204, %mul3A_235 : i32
        %add3A_237 = arith.constant 2 : i32
        %add3A_238 = arith.addi %mul3A_236, %add3A_237 : i32
        %dma_start3A_239 = arith.constant 2 : i32
        %dma_start3A_240 = arith.constant 0 : i32
        %dma_start3A_241 = arith.constant 0 : i32
        %dma_start3A_242 = tpu.memref_slice %arg7[%dma_start3A_239, %dma_start3A_240, %dma_start3A_241] : memref<4x56x128xf32, #tpu.memory_space<vmem>> -> memref<1x50x128xf32, #tpu.memory_space<vmem>>
        %dma_start3A_243 = tpu.memref_squeeze %dma_start3A_242 : memref<1x50x128xf32, #tpu.memory_space<vmem>> -> memref<50x128xf32, #tpu.memory_space<vmem>>
        %dma_start3A_244 = arith.constant 0 : i32
        %dma_start3A_245 = tpu.memref_slice %arg5[%add3A_238, %dma_start3A_244] : memref<512x50xi32, #tpu.memory_space<vmem>> -> memref<1x50xi32, #tpu.memory_space<vmem>>
        %dma_start3A_246 = tpu.memref_squeeze %dma_start3A_245 : memref<1x50xi32, #tpu.memory_space<vmem>> -> memref<50xi32, #tpu.memory_space<vmem>>
        %dma_start3A_247 = arith.constant 0 : i32
        %dma_start3A_248 = arith.constant 0 : i32
        %dma_start3A_249 = tpu.memref_slice %arg3[%dma_start3A_247, %dma_start3A_248] : memref<1000000x128xf32, #tpu.memory_space<hbm>> -> memref<1000000x128xf32, #tpu.memory_space<hbm>>
        tpu.enqueue_indirect_dma source(%dma_start3A_249 : memref<1000000x128xf32, #tpu.memory_space<hbm>>) target(%dma_start3A_243 : memref<50x128xf32, #tpu.memory_space<vmem>>) offsets(%dma_start3A_246 : memref<50xi32, #tpu.memory_space<vmem>>) semaphore(%arg9 : memref<!tpu.dma_semaphore, #tpu.memory_space<semaphore_mem>>)
        %mul3A_250 = arith.constant 4 : i32
        %mul3A_251 = arith.muli %add3A_204, %mul3A_250 : i32
        %add3A_252 = arith.constant 3 : i32
        %add3A_253 = arith.addi %mul3A_251, %add3A_252 : i32
        %dma_start3A_254 = arith.constant 3 : i32
        %dma_start3A_255 = arith.constant 0 : i32
        %dma_start3A_256 = arith.constant 0 : i32
        %dma_start3A_257 = tpu.memref_slice %arg7[%dma_start3A_254, %dma_start3A_255, %dma_start3A_256] : memref<4x56x128xf32, #tpu.memory_space<vmem>> -> memref<1x50x128xf32, #tpu.memory_space<vmem>>
        %dma_start3A_258 = tpu.memref_squeeze %dma_start3A_257 : memref<1x50x128xf32, #tpu.memory_space<vmem>> -> memref<50x128xf32, #tpu.memory_space<vmem>>
        %dma_start3A_259 = arith.constant 0 : i32
        %dma_start3A_260 = tpu.memref_slice %arg5[%add3A_253, %dma_start3A_259] : memref<512x50xi32, #tpu.memory_space<vmem>> -> memref<1x50xi32, #tpu.memory_space<vmem>>
        %dma_start3A_261 = tpu.memref_squeeze %dma_start3A_260 : memref<1x50xi32, #tpu.memory_space<vmem>> -> memref<50xi32, #tpu.memory_space<vmem>>
        %dma_start3A_262 = arith.constant 0 : i32
        %dma_start3A_263 = arith.constant 0 : i32
        %dma_start3A_264 = tpu.memref_slice %arg3[%dma_start3A_262, %dma_start3A_263] : memref<1000000x128xf32, #tpu.memory_space<hbm>> -> memref<1000000x128xf32, #tpu.memory_space<hbm>>
        tpu.enqueue_indirect_dma source(%dma_start3A_264 : memref<1000000x128xf32, #tpu.memory_space<hbm>>) target(%dma_start3A_258 : memref<50x128xf32, #tpu.memory_space<vmem>>) offsets(%dma_start3A_261 : memref<50xi32, #tpu.memory_space<vmem>>) semaphore(%arg9 : memref<!tpu.dma_semaphore, #tpu.memory_space<semaphore_mem>>)
      } else {
      }
      %dma_wait3A_73 = arith.constant 0 : i32
      %dma_wait3A_74 = arith.constant 0 : i32
      %dma_wait3A_75 = arith.constant 0 : i32
      %dma_wait3A_76 = arith.constant 0 : i32
      %dma_wait3A_77 = tpu.memref_slice %arg6[%dma_wait3A_74, %dma_wait3A_75, %dma_wait3A_76] : memref<4x56x128xf32, #tpu.memory_space<vmem>> -> memref<1x50x128xf32, #tpu.memory_space<vmem>>
      %dma_wait3A_78 = tpu.memref_squeeze %dma_wait3A_77 : memref<1x50x128xf32, #tpu.memory_space<vmem>> -> memref<50x128xf32, #tpu.memory_space<vmem>>
      %dma_wait3A_79 = arith.constant 0 : i32
      %dma_wait3A_80 = tpu.memref_slice %arg5[%dma_wait3A_73, %dma_wait3A_79] : memref<512x50xi32, #tpu.memory_space<vmem>> -> memref<1x50xi32, #tpu.memory_space<vmem>>
      %dma_wait3A_81 = tpu.memref_squeeze %dma_wait3A_80 : memref<1x50xi32, #tpu.memory_space<vmem>> -> memref<50xi32, #tpu.memory_space<vmem>>
      %dma_wait3A_82 = arith.constant 0 : i32
      %dma_wait3A_83 = arith.constant 0 : i32
      %dma_wait3A_84 = tpu.memref_slice %arg3[%dma_wait3A_82, %dma_wait3A_83] : memref<1000000x128xf32, #tpu.memory_space<hbm>> -> memref<1000000x128xf32, #tpu.memory_space<hbm>>
      tpu.wait_indirect_dma semaphore(%arg8 : memref<!tpu.dma_semaphore, #tpu.memory_space<semaphore_mem>>) src(%dma_wait3A_84 : memref<1000000x128xf32, #tpu.memory_space<hbm>>) dst(%dma_wait3A_78 : memref<50x128xf32, #tpu.memory_space<vmem>>)
      %dma_wait3A_85 = arith.constant 0 : i32
      %dma_wait3A_86 = arith.constant 1 : i32
      %dma_wait3A_87 = arith.constant 0 : i32
      %dma_wait3A_88 = arith.constant 0 : i32
      %dma_wait3A_89 = tpu.memref_slice %arg6[%dma_wait3A_86, %dma_wait3A_87, %dma_wait3A_88] : memref<4x56x128xf32, #tpu.memory_space<vmem>> -> memref<1x50x128xf32, #tpu.memory_space<vmem>>
      %dma_wait3A_90 = tpu.memref_squeeze %dma_wait3A_89 : memref<1x50x128xf32, #tpu.memory_space<vmem>> -> memref<50x128xf32, #tpu.memory_space<vmem>>
      %dma_wait3A_91 = arith.constant 0 : i32
      %dma_wait3A_92 = tpu.memref_slice %arg5[%dma_wait3A_85, %dma_wait3A_91] : memref<512x50xi32, #tpu.memory_space<vmem>> -> memref<1x50xi32, #tpu.memory_space<vmem>>
      %dma_wait3A_93 = tpu.memref_squeeze %dma_wait3A_92 : memref<1x50xi32, #tpu.memory_space<vmem>> -> memref<50xi32, #tpu.memory_space<vmem>>
      %dma_wait3A_94 = arith.constant 0 : i32
      %dma_wait3A_95 = arith.constant 0 : i32
      %dma_wait3A_96 = tpu.memref_slice %arg3[%dma_wait3A_94, %dma_wait3A_95] : memref<1000000x128xf32, #tpu.memory_space<hbm>> -> memref<1000000x128xf32, #tpu.memory_space<hbm>>
      tpu.wait_indirect_dma semaphore(%arg8 : memref<!tpu.dma_semaphore, #tpu.memory_space<semaphore_mem>>) src(%dma_wait3A_96 : memref<1000000x128xf32, #tpu.memory_space<hbm>>) dst(%dma_wait3A_90 : memref<50x128xf32, #tpu.memory_space<vmem>>)
      %dma_wait3A_97 = arith.constant 0 : i32
      %dma_wait3A_98 = arith.constant 2 : i32
      %dma_wait3A_99 = arith.constant 0 : i32
      %dma_wait3A_100 = arith.constant 0 : i32
      %dma_wait3A_101 = tpu.memref_slice %arg6[%dma_wait3A_98, %dma_wait3A_99, %dma_wait3A_100] : memref<4x56x128xf32, #tpu.memory_space<vmem>> -> memref<1x50x128xf32, #tpu.memory_space<vmem>>
      %dma_wait3A_102 = tpu.memref_squeeze %dma_wait3A_101 : memref<1x50x128xf32, #tpu.memory_space<vmem>> -> memref<50x128xf32, #tpu.memory_space<vmem>>
      %dma_wait3A_103 = arith.constant 0 : i32
      %dma_wait3A_104 = tpu.memref_slice %arg5[%dma_wait3A_97, %dma_wait3A_103] : memref<512x50xi32, #tpu.memory_space<vmem>> -> memref<1x50xi32, #tpu.memory_space<vmem>>
      %dma_wait3A_105 = tpu.memref_squeeze %dma_wait3A_104 : memref<1x50xi32, #tpu.memory_space<vmem>> -> memref<50xi32, #tpu.memory_space<vmem>>
      %dma_wait3A_106 = arith.constant 0 : i32
      %dma_wait3A_107 = arith.constant 0 : i32
      %dma_wait3A_108 = tpu.memref_slice %arg3[%dma_wait3A_106, %dma_wait3A_107] : memref<1000000x128xf32, #tpu.memory_space<hbm>> -> memref<1000000x128xf32, #tpu.memory_space<hbm>>
      tpu.wait_indirect_dma semaphore(%arg8 : memref<!tpu.dma_semaphore, #tpu.memory_space<semaphore_mem>>) src(%dma_wait3A_108 : memref<1000000x128xf32, #tpu.memory_space<hbm>>) dst(%dma_wait3A_102 : memref<50x128xf32, #tpu.memory_space<vmem>>)
      %dma_wait3A_109 = arith.constant 0 : i32
      %dma_wait3A_110 = arith.constant 3 : i32
      %dma_wait3A_111 = arith.constant 0 : i32
      %dma_wait3A_112 = arith.constant 0 : i32
      %dma_wait3A_113 = tpu.memref_slice %arg6[%dma_wait3A_110, %dma_wait3A_111, %dma_wait3A_112] : memref<4x56x128xf32, #tpu.memory_space<vmem>> -> memref<1x50x128xf32, #tpu.memory_space<vmem>>
      %dma_wait3A_114 = tpu.memref_squeeze %dma_wait3A_113 : memref<1x50x128xf32, #tpu.memory_space<vmem>> -> memref<50x128xf32, #tpu.memory_space<vmem>>
      %dma_wait3A_115 = arith.constant 0 : i32
      %dma_wait3A_116 = tpu.memref_slice %arg5[%dma_wait3A_109, %dma_wait3A_115] : memref<512x50xi32, #tpu.memory_space<vmem>> -> memref<1x50xi32, #tpu.memory_space<vmem>>
      %dma_wait3A_117 = tpu.memref_squeeze %dma_wait3A_116 : memref<1x50xi32, #tpu.memory_space<vmem>> -> memref<50xi32, #tpu.memory_space<vmem>>
      %dma_wait3A_118 = arith.constant 0 : i32
      %dma_wait3A_119 = arith.constant 0 : i32
      %dma_wait3A_120 = tpu.memref_slice %arg3[%dma_wait3A_118, %dma_wait3A_119] : memref<1000000x128xf32, #tpu.memory_space<hbm>> -> memref<1000000x128xf32, #tpu.memory_space<hbm>>
      tpu.wait_indirect_dma semaphore(%arg8 : memref<!tpu.dma_semaphore, #tpu.memory_space<semaphore_mem>>) src(%dma_wait3A_120 : memref<1000000x128xf32, #tpu.memory_space<hbm>>) dst(%dma_wait3A_114 : memref<50x128xf32, #tpu.memory_space<vmem>>)
      %mul3A_121 = arith.constant 4 : i32
      %mul3A_122 = arith.muli %add3A_64, %mul3A_121 : i32
      %add3A_123 = arith.addi %mul3A_2, %mul3A_122 : i32
      %dma_start3A_124 = arith.constant 0 : i32
      %dma_start3A_125 = arith.constant 0 : i32
      %dma_start3A_126 = tpu.memref_slice %arg4[%add3A_123, %dma_start3A_124, %dma_start3A_125] : memref<16384x56x128xf32, #tpu.memory_space<hbm>> -> memref<4x56x128xf32, #tpu.memory_space<hbm>>
      %dma_start3A_127 = arith.constant 0 : i32
      %dma_start3A_128 = arith.constant 0 : i32
      %dma_start3A_129 = tpu.memref_slice %arg4[%add3A_123, %dma_start3A_127, %dma_start3A_128] : memref<16384x56x128xf32, #tpu.memory_space<hbm>> -> memref<4x56x128xf32, #tpu.memory_space<hbm>>
      tpu.enqueue_dma source(%arg6 : memref<4x56x128xf32, #tpu.memory_space<vmem>>) target(%dma_start3A_129 : memref<4x56x128xf32, #tpu.memory_space<hbm>>) target_semaphore(%arg10 : memref<!tpu.dma_semaphore, #tpu.memory_space<semaphore_mem>>)
      %mul3A_130 = arith.constant 2 : i32
      %mul3A_131 = arith.muli %mul3A_130, %scan3A_60 : i32
      %add3A_132 = arith.constant 1 : i32
      %add3A_133 = arith.addi %mul3A_131, %add3A_132 : i32
      %ge3A_134 = arith.constant 1 : i32
      %ge3A_135 = arith.cmpi sge, %add3A_133, %ge3A_134 : i32
      %convert_element_type3A_136 = arith.extui %ge3A_135 : i1 to i32
      %cond3A_137 = arith.constant 0 : i32
      %cond3A_138 = arith.cmpi ne, %convert_element_type3A_136, %cond3A_137 : i32
      scf.if %cond3A_138 {
        %dma_wait3A_203 = arith.constant 0 : i32
        %dma_wait3A_204 = arith.constant 0 : i32
        %dma_wait3A_205 = tpu.memref_slice %arg4[%mul3A_2, %dma_wait3A_203, %dma_wait3A_204] : memref<16384x56x128xf32, #tpu.memory_space<hbm>> -> memref<4x56x128xf32, #tpu.memory_space<hbm>>
        %dma_wait3A_206 = arith.constant 0 : i32
        %dma_wait3A_207 = arith.constant 0 : i32
        %dma_wait3A_208 = tpu.memref_slice %arg4[%mul3A_2, %dma_wait3A_206, %dma_wait3A_207] : memref<16384x56x128xf32, #tpu.memory_space<hbm>> -> memref<4x56x128xf32, #tpu.memory_space<hbm>>
        tpu.wait_dma2 semaphore(%arg10 : memref<!tpu.dma_semaphore, #tpu.memory_space<semaphore_mem>>) src(%arg6 : memref<4x56x128xf32, #tpu.memory_space<vmem>>) dst(%dma_wait3A_208 : memref<4x56x128xf32, #tpu.memory_space<hbm>>)
      } else {
      }
      %add3A_139 = arith.constant 1 : i32
      %add3A_140 = arith.addi %add3A_133, %add3A_139 : i32
      %lt3A_141 = arith.constant 128 : i32
      %lt3A_142 = arith.cmpi slt, %add3A_140, %lt3A_141 : i32
      %convert_element_type3A_143 = arith.extui %lt3A_142 : i1 to i32
      %cond3A_144 = arith.constant 0 : i32
      %cond3A_145 = arith.cmpi ne, %convert_element_type3A_143, %cond3A_144 : i32
      scf.if %cond3A_145 {
        %add3A_203 = arith.constant 1 : i32
        %add3A_204 = arith.addi %add3A_133, %add3A_203 : i32
        %mul3A_205 = arith.constant 4 : i32
        %mul3A_206 = arith.muli %add3A_204, %mul3A_205 : i32
        %add3A_207 = arith.constant 0 : i32
        %add3A_208 = arith.addi %mul3A_206, %add3A_207 : i32
        %dma_start3A_209 = arith.constant 0 : i32
        %dma_start3A_210 = arith.constant 0 : i32
        %dma_start3A_211 = arith.constant 0 : i32
        %dma_start3A_212 = tpu.memref_slice %arg6[%dma_start3A_209, %dma_start3A_210, %dma_start3A_211] : memref<4x56x128xf32, #tpu.memory_space<vmem>> -> memref<1x50x128xf32, #tpu.memory_space<vmem>>
        %dma_start3A_213 = tpu.memref_squeeze %dma_start3A_212 : memref<1x50x128xf32, #tpu.memory_space<vmem>> -> memref<50x128xf32, #tpu.memory_space<vmem>>
        %dma_start3A_214 = arith.constant 0 : i32
        %dma_start3A_215 = tpu.memref_slice %arg5[%add3A_208, %dma_start3A_214] : memref<512x50xi32, #tpu.memory_space<vmem>> -> memref<1x50xi32, #tpu.memory_space<vmem>>
        %dma_start3A_216 = tpu.memref_squeeze %dma_start3A_215 : memref<1x50xi32, #tpu.memory_space<vmem>> -> memref<50xi32, #tpu.memory_space<vmem>>
        %dma_start3A_217 = arith.constant 0 : i32
        %dma_start3A_218 = arith.constant 0 : i32
        %dma_start3A_219 = tpu.memref_slice %arg3[%dma_start3A_217, %dma_start3A_218] : memref<1000000x128xf32, #tpu.memory_space<hbm>> -> memref<1000000x128xf32, #tpu.memory_space<hbm>>
        tpu.enqueue_indirect_dma source(%dma_start3A_219 : memref<1000000x128xf32, #tpu.memory_space<hbm>>) target(%dma_start3A_213 : memref<50x128xf32, #tpu.memory_space<vmem>>) offsets(%dma_start3A_216 : memref<50xi32, #tpu.memory_space<vmem>>) semaphore(%arg8 : memref<!tpu.dma_semaphore, #tpu.memory_space<semaphore_mem>>)
        %mul3A_220 = arith.constant 4 : i32
        %mul3A_221 = arith.muli %add3A_204, %mul3A_220 : i32
        %add3A_222 = arith.constant 1 : i32
        %add3A_223 = arith.addi %mul3A_221, %add3A_222 : i32
        %dma_start3A_224 = arith.constant 1 : i32
        %dma_start3A_225 = arith.constant 0 : i32
        %dma_start3A_226 = arith.constant 0 : i32
        %dma_start3A_227 = tpu.memref_slice %arg6[%dma_start3A_224, %dma_start3A_225, %dma_start3A_226] : memref<4x56x128xf32, #tpu.memory_space<vmem>> -> memref<1x50x128xf32, #tpu.memory_space<vmem>>
        %dma_start3A_228 = tpu.memref_squeeze %dma_start3A_227 : memref<1x50x128xf32, #tpu.memory_space<vmem>> -> memref<50x128xf32, #tpu.memory_space<vmem>>
        %dma_start3A_229 = arith.constant 0 : i32
        %dma_start3A_230 = tpu.memref_slice %arg5[%add3A_223, %dma_start3A_229] : memref<512x50xi32, #tpu.memory_space<vmem>> -> memref<1x50xi32, #tpu.memory_space<vmem>>
        %dma_start3A_231 = tpu.memref_squeeze %dma_start3A_230 : memref<1x50xi32, #tpu.memory_space<vmem>> -> memref<50xi32, #tpu.memory_space<vmem>>
        %dma_start3A_232 = arith.constant 0 : i32
        %dma_start3A_233 = arith.constant 0 : i32
        %dma_start3A_234 = tpu.memref_slice %arg3[%dma_start3A_232, %dma_start3A_233] : memref<1000000x128xf32, #tpu.memory_space<hbm>> -> memref<1000000x128xf32, #tpu.memory_space<hbm>>
        tpu.enqueue_indirect_dma source(%dma_start3A_234 : memref<1000000x128xf32, #tpu.memory_space<hbm>>) target(%dma_start3A_228 : memref<50x128xf32, #tpu.memory_space<vmem>>) offsets(%dma_start3A_231 : memref<50xi32, #tpu.memory_space<vmem>>) semaphore(%arg8 : memref<!tpu.dma_semaphore, #tpu.memory_space<semaphore_mem>>)
        %mul3A_235 = arith.constant 4 : i32
        %mul3A_236 = arith.muli %add3A_204, %mul3A_235 : i32
        %add3A_237 = arith.constant 2 : i32
        %add3A_238 = arith.addi %mul3A_236, %add3A_237 : i32
        %dma_start3A_239 = arith.constant 2 : i32
        %dma_start3A_240 = arith.constant 0 : i32
        %dma_start3A_241 = arith.constant 0 : i32
        %dma_start3A_242 = tpu.memref_slice %arg6[%dma_start3A_239, %dma_start3A_240, %dma_start3A_241] : memref<4x56x128xf32, #tpu.memory_space<vmem>> -> memref<1x50x128xf32, #tpu.memory_space<vmem>>
        %dma_start3A_243 = tpu.memref_squeeze %dma_start3A_242 : memref<1x50x128xf32, #tpu.memory_space<vmem>> -> memref<50x128xf32, #tpu.memory_space<vmem>>
        %dma_start3A_244 = arith.constant 0 : i32
        %dma_start3A_245 = tpu.memref_slice %arg5[%add3A_238, %dma_start3A_244] : memref<512x50xi32, #tpu.memory_space<vmem>> -> memref<1x50xi32, #tpu.memory_space<vmem>>
        %dma_start3A_246 = tpu.memref_squeeze %dma_start3A_245 : memref<1x50xi32, #tpu.memory_space<vmem>> -> memref<50xi32, #tpu.memory_space<vmem>>
        %dma_start3A_247 = arith.constant 0 : i32
        %dma_start3A_248 = arith.constant 0 : i32
        %dma_start3A_249 = tpu.memref_slice %arg3[%dma_start3A_247, %dma_start3A_248] : memref<1000000x128xf32, #tpu.memory_space<hbm>> -> memref<1000000x128xf32, #tpu.memory_space<hbm>>
        tpu.enqueue_indirect_dma source(%dma_start3A_249 : memref<1000000x128xf32, #tpu.memory_space<hbm>>) target(%dma_start3A_243 : memref<50x128xf32, #tpu.memory_space<vmem>>) offsets(%dma_start3A_246 : memref<50xi32, #tpu.memory_space<vmem>>) semaphore(%arg8 : memref<!tpu.dma_semaphore, #tpu.memory_space<semaphore_mem>>)
        %mul3A_250 = arith.constant 4 : i32
        %mul3A_251 = arith.muli %add3A_204, %mul3A_250 : i32
        %add3A_252 = arith.constant 3 : i32
        %add3A_253 = arith.addi %mul3A_251, %add3A_252 : i32
        %dma_start3A_254 = arith.constant 3 : i32
        %dma_start3A_255 = arith.constant 0 : i32
        %dma_start3A_256 = arith.constant 0 : i32
        %dma_start3A_257 = tpu.memref_slice %arg6[%dma_start3A_254, %dma_start3A_255, %dma_start3A_256] : memref<4x56x128xf32, #tpu.memory_space<vmem>> -> memref<1x50x128xf32, #tpu.memory_space<vmem>>
        %dma_start3A_258 = tpu.memref_squeeze %dma_start3A_257 : memref<1x50x128xf32, #tpu.memory_space<vmem>> -> memref<50x128xf32, #tpu.memory_space<vmem>>
        %dma_start3A_259 = arith.constant 0 : i32
        %dma_start3A_260 = tpu.memref_slice %arg5[%add3A_253, %dma_start3A_259] : memref<512x50xi32, #tpu.memory_space<vmem>> -> memref<1x50xi32, #tpu.memory_space<vmem>>
        %dma_start3A_261 = tpu.memref_squeeze %dma_start3A_260 : memref<1x50xi32, #tpu.memory_space<vmem>> -> memref<50xi32, #tpu.memory_space<vmem>>
        %dma_start3A_262 = arith.constant 0 : i32
        %dma_start3A_263 = arith.constant 0 : i32
        %dma_start3A_264 = tpu.memref_slice %arg3[%dma_start3A_262, %dma_start3A_263] : memref<1000000x128xf32, #tpu.memory_space<hbm>> -> memref<1000000x128xf32, #tpu.memory_space<hbm>>
        tpu.enqueue_indirect_dma source(%dma_start3A_264 : memref<1000000x128xf32, #tpu.memory_space<hbm>>) target(%dma_start3A_258 : memref<50x128xf32, #tpu.memory_space<vmem>>) offsets(%dma_start3A_261 : memref<50xi32, #tpu.memory_space<vmem>>) semaphore(%arg8 : memref<!tpu.dma_semaphore, #tpu.memory_space<semaphore_mem>>)
      } else {
      }
      %dma_wait3A_146 = arith.constant 0 : i32
      %dma_wait3A_147 = arith.constant 0 : i32
      %dma_wait3A_148 = arith.constant 0 : i32
      %dma_wait3A_149 = arith.constant 0 : i32
      %dma_wait3A_150 = tpu.memref_slice %arg7[%dma_wait3A_147, %dma_wait3A_148, %dma_wait3A_149] : memref<4x56x128xf32, #tpu.memory_space<vmem>> -> memref<1x50x128xf32, #tpu.memory_space<vmem>>
      %dma_wait3A_151 = tpu.memref_squeeze %dma_wait3A_150 : memref<1x50x128xf32, #tpu.memory_space<vmem>> -> memref<50x128xf32, #tpu.memory_space<vmem>>
      %dma_wait3A_152 = arith.constant 0 : i32
      %dma_wait3A_153 = tpu.memref_slice %arg5[%dma_wait3A_146, %dma_wait3A_152] : memref<512x50xi32, #tpu.memory_space<vmem>> -> memref<1x50xi32, #tpu.memory_space<vmem>>
      %dma_wait3A_154 = tpu.memref_squeeze %dma_wait3A_153 : memref<1x50xi32, #tpu.memory_space<vmem>> -> memref<50xi32, #tpu.memory_space<vmem>>
      %dma_wait3A_155 = arith.constant 0 : i32
      %dma_wait3A_156 = arith.constant 0 : i32
      %dma_wait3A_157 = tpu.memref_slice %arg3[%dma_wait3A_155, %dma_wait3A_156] : memref<1000000x128xf32, #tpu.memory_space<hbm>> -> memref<1000000x128xf32, #tpu.memory_space<hbm>>
      tpu.wait_indirect_dma semaphore(%arg9 : memref<!tpu.dma_semaphore, #tpu.memory_space<semaphore_mem>>) src(%dma_wait3A_157 : memref<1000000x128xf32, #tpu.memory_space<hbm>>) dst(%dma_wait3A_151 : memref<50x128xf32, #tpu.memory_space<vmem>>)
      %dma_wait3A_158 = arith.constant 0 : i32
      %dma_wait3A_159 = arith.constant 1 : i32
      %dma_wait3A_160 = arith.constant 0 : i32
      %dma_wait3A_161 = arith.constant 0 : i32
      %dma_wait3A_162 = tpu.memref_slice %arg7[%dma_wait3A_159, %dma_wait3A_160, %dma_wait3A_161] : memref<4x56x128xf32, #tpu.memory_space<vmem>> -> memref<1x50x128xf32, #tpu.memory_space<vmem>>
      %dma_wait3A_163 = tpu.memref_squeeze %dma_wait3A_162 : memref<1x50x128xf32, #tpu.memory_space<vmem>> -> memref<50x128xf32, #tpu.memory_space<vmem>>
      %dma_wait3A_164 = arith.constant 0 : i32
      %dma_wait3A_165 = tpu.memref_slice %arg5[%dma_wait3A_158, %dma_wait3A_164] : memref<512x50xi32, #tpu.memory_space<vmem>> -> memref<1x50xi32, #tpu.memory_space<vmem>>
      %dma_wait3A_166 = tpu.memref_squeeze %dma_wait3A_165 : memref<1x50xi32, #tpu.memory_space<vmem>> -> memref<50xi32, #tpu.memory_space<vmem>>
      %dma_wait3A_167 = arith.constant 0 : i32
      %dma_wait3A_168 = arith.constant 0 : i32
      %dma_wait3A_169 = tpu.memref_slice %arg3[%dma_wait3A_167, %dma_wait3A_168] : memref<1000000x128xf32, #tpu.memory_space<hbm>> -> memref<1000000x128xf32, #tpu.memory_space<hbm>>
      tpu.wait_indirect_dma semaphore(%arg9 : memref<!tpu.dma_semaphore, #tpu.memory_space<semaphore_mem>>) src(%dma_wait3A_169 : memref<1000000x128xf32, #tpu.memory_space<hbm>>) dst(%dma_wait3A_163 : memref<50x128xf32, #tpu.memory_space<vmem>>)
      %dma_wait3A_170 = arith.constant 0 : i32
      %dma_wait3A_171 = arith.constant 2 : i32
      %dma_wait3A_172 = arith.constant 0 : i32
      %dma_wait3A_173 = arith.constant 0 : i32
      %dma_wait3A_174 = tpu.memref_slice %arg7[%dma_wait3A_171, %dma_wait3A_172, %dma_wait3A_173] : memref<4x56x128xf32, #tpu.memory_space<vmem>> -> memref<1x50x128xf32, #tpu.memory_space<vmem>>
      %dma_wait3A_175 = tpu.memref_squeeze %dma_wait3A_174 : memref<1x50x128xf32, #tpu.memory_space<vmem>> -> memref<50x128xf32, #tpu.memory_space<vmem>>
      %dma_wait3A_176 = arith.constant 0 : i32
      %dma_wait3A_177 = tpu.memref_slice %arg5[%dma_wait3A_170, %dma_wait3A_176] : memref<512x50xi32, #tpu.memory_space<vmem>> -> memref<1x50xi32, #tpu.memory_space<vmem>>
      %dma_wait3A_178 = tpu.memref_squeeze %dma_wait3A_177 : memref<1x50xi32, #tpu.memory_space<vmem>> -> memref<50xi32, #tpu.memory_space<vmem>>
      %dma_wait3A_179 = arith.constant 0 : i32
      %dma_wait3A_180 = arith.constant 0 : i32
      %dma_wait3A_181 = tpu.memref_slice %arg3[%dma_wait3A_179, %dma_wait3A_180] : memref<1000000x128xf32, #tpu.memory_space<hbm>> -> memref<1000000x128xf32, #tpu.memory_space<hbm>>
      tpu.wait_indirect_dma semaphore(%arg9 : memref<!tpu.dma_semaphore, #tpu.memory_space<semaphore_mem>>) src(%dma_wait3A_181 : memref<1000000x128xf32, #tpu.memory_space<hbm>>) dst(%dma_wait3A_175 : memref<50x128xf32, #tpu.memory_space<vmem>>)
      %dma_wait3A_182 = arith.constant 0 : i32
      %dma_wait3A_183 = arith.constant 3 : i32
      %dma_wait3A_184 = arith.constant 0 : i32
      %dma_wait3A_185 = arith.constant 0 : i32
      %dma_wait3A_186 = tpu.memref_slice %arg7[%dma_wait3A_183, %dma_wait3A_184, %dma_wait3A_185] : memref<4x56x128xf32, #tpu.memory_space<vmem>> -> memref<1x50x128xf32, #tpu.memory_space<vmem>>
      %dma_wait3A_187 = tpu.memref_squeeze %dma_wait3A_186 : memref<1x50x128xf32, #tpu.memory_space<vmem>> -> memref<50x128xf32, #tpu.memory_space<vmem>>
      %dma_wait3A_188 = arith.constant 0 : i32
      %dma_wait3A_189 = tpu.memref_slice %arg5[%dma_wait3A_182, %dma_wait3A_188] : memref<512x50xi32, #tpu.memory_space<vmem>> -> memref<1x50xi32, #tpu.memory_space<vmem>>
      %dma_wait3A_190 = tpu.memref_squeeze %dma_wait3A_189 : memref<1x50xi32, #tpu.memory_space<vmem>> -> memref<50xi32, #tpu.memory_space<vmem>>
      %dma_wait3A_191 = arith.constant 0 : i32
      %dma_wait3A_192 = arith.constant 0 : i32
      %dma_wait3A_193 = tpu.memref_slice %arg3[%dma_wait3A_191, %dma_wait3A_192] : memref<1000000x128xf32, #tpu.memory_space<hbm>> -> memref<1000000x128xf32, #tpu.memory_space<hbm>>
      tpu.wait_indirect_dma semaphore(%arg9 : memref<!tpu.dma_semaphore, #tpu.memory_space<semaphore_mem>>) src(%dma_wait3A_193 : memref<1000000x128xf32, #tpu.memory_space<hbm>>) dst(%dma_wait3A_187 : memref<50x128xf32, #tpu.memory_space<vmem>>)
      %mul3A_194 = arith.constant 4 : i32
      %mul3A_195 = arith.muli %add3A_133, %mul3A_194 : i32
      %add3A_196 = arith.addi %mul3A_2, %mul3A_195 : i32
      %dma_start3A_197 = arith.constant 0 : i32
      %dma_start3A_198 = arith.constant 0 : i32
      %dma_start3A_199 = tpu.memref_slice %arg4[%add3A_196, %dma_start3A_197, %dma_start3A_198] : memref<16384x56x128xf32, #tpu.memory_space<hbm>> -> memref<4x56x128xf32, #tpu.memory_space<hbm>>
      %dma_start3A_200 = arith.constant 0 : i32
      %dma_start3A_201 = arith.constant 0 : i32
      %dma_start3A_202 = tpu.memref_slice %arg4[%add3A_196, %dma_start3A_200, %dma_start3A_201] : memref<16384x56x128xf32, #tpu.memory_space<hbm>> -> memref<4x56x128xf32, #tpu.memory_space<hbm>>
      tpu.enqueue_dma source(%arg7 : memref<4x56x128xf32, #tpu.memory_space<vmem>>) target(%dma_start3A_202 : memref<4x56x128xf32, #tpu.memory_space<hbm>>) target_semaphore(%arg11 : memref<!tpu.dma_semaphore, #tpu.memory_space<semaphore_mem>>)
    }
    %scan3A_54 = arith.constant 64 : i32
    %dma_wait3A = arith.constant 0 : i32
    %dma_wait3A_55 = arith.constant 0 : i32
    %dma_wait3A_56 = tpu.memref_slice %arg4[%mul3A_2, %dma_wait3A, %dma_wait3A_55] : memref<16384x56x128xf32, #tpu.memory_space<hbm>> -> memref<4x56x128xf32, #tpu.memory_space<hbm>>
    %dma_wait3A_57 = arith.constant 0 : i32
    %dma_wait3A_58 = arith.constant 0 : i32
    %dma_wait3A_59 = tpu.memref_slice %arg4[%mul3A_2, %dma_wait3A_57, %dma_wait3A_58] : memref<16384x56x128xf32, #tpu.memory_space<hbm>> -> memref<4x56x128xf32, #tpu.memory_space<hbm>>
    tpu.wait_dma2 semaphore(%arg11 : memref<!tpu.dma_semaphore, #tpu.memory_space<semaphore_mem>>) src(%arg7 : memref<4x56x128xf32, #tpu.memory_space<vmem>>) dst(%dma_wait3A_59 : memref<4x56x128xf32, #tpu.memory_space<hbm>>)
    return
  }
}

</mosaic_0001>

<sc_bundles>
// kernel: kernel.3.cloned.1.call-start
scs
__scs_entry_jumppad:
0x0: {  	(pc) =	sbr.rel $0x88, $3  }
0x1: {  	(tag) =	ssettag $0x0;
	lr =	simm.s32 $0x1  }
0x2: {  	[smem:$0x3F9F] =	sst lr;
	_ =	strace $0xD0000000  }
0x3: {  	_ = 	snop  }
0x4: {  	_ = 	snop  }
0x5: {  	_ = 	snop  }
0x6: {  	_ = 	snop  }
0x7: {  	_ = 	snop  }
__scs_overlays_trampoline_lowered:
0x8: {  	[smem:$0x3FAE] =	sst s0  }
0x9: {  	[smem:$0x3FAF] =	sst s1  }
0xa: {  	[smem:$0x3FB0] =	sst s2  }
0xb: {  	[smem:$0x3FB1] =	sst s3  }
0xc: {  	[smem:$0x3FB2] =	sst s4  }
0xd: {  	[smem:$0x3FB3] =	sst s5  }
0xe: {  	[smem:$0x3FB4] =	sst s6  }
0xf: {  	[smem:$0x3FB5] =	sst s7  }
0x10: {  	[smem:$0x3FB6] =	sst s8  }
0x11: {  	[smem:$0x3FB7] =	sst s9;
	s0 =	simm.s32 @!p0 $0x0  }
0x12: {  	s1 =	sld [smem:$0x3F9D];
	s0 =	simm.s32 @p0 $0x1  }
0x13: {  	[smem:$0x3FB8] =	sst s0;
	s0 =	simm.s32 @!p1 $0x0  }
0x14: {  	s2 =	sld [smem:$0x3F9C];
	s0 =	simm.s32 @p1 $0x1  }
0x15: {  	[smem:$0x3FB9] =	sst s0;
	s0 =	simm.s32 @!p2 $0x0  }
0x16: {  	s3 =	sld [smem:$0x3FDB];
	s0 =	simm.s32 @p2 $0x1  }
0x17: {  	s4 =	simm.s32 $0x1BF5;
	[smem:$0x3FBB] =	sst s0  }
0x18: {  	s0 =	sld [smem:$0x3F9E];
	_ =	swait.ge [sflag:s4], $0x0  }
0x19: {  	s7 =	sld [smem:$0x3F9F]  }
0x1a: {  	s8 =	sadd.s32 $0xFFFFE003, lr  }
0x1b: {  	s9 =	sadd.s32 $0xFFFFFEF7, lr;
	s5 =	simm.s32 $0xFFFFFFFF;
	p2 =	slt.u32 s8, $0xFFFFF086  }
0x1c: {  	p1 =	slt.u32 s9, $0xF7A;
	s5 =	simm.s32 @!p2 $0x0  }
0x1d: {  	s5 =	simm.s32 @p1 $0x1;
	p0 =	seq.s32 s7, s2  }
0x1e: {  	s7 =	smul.u32 @!p0 $0xF7A, s2;
	p2 =	seq.s32 @!p0 s5, $0x0  }
0x1f: {  	s9 =	smul.u32 $0xF7A, s1;
	s8 =	simm.s32 @!p0 $0x1BF5;
	p2 =	por !p2, p0  }
0x20: {  	[sflag:s8] =	ssyncset.s32 @!p0 $0xFFFFF086;
	s6 =	sadd.s32 @!p0 s3, s7;
	s7 =	simm.s32 @!p0 $0x108  }
0x21: {  	s3 =	sadd.s32 s3, s9;
	s6 =	sadd.s32 @!p0 $0x88, s6;
	s7 =	simm.s32 @p2 $0x1082  }
0x22: {  	[simem:s7], [sflag:s8] =	dma.local @!p0 [hbm:s6], $0xF7A  }
0x23: {  	s9 =	sor.u32 $0xD0000000, s2;
	s6 =	simm.s32 $0x108;
	_ =	swait.ge @!p0 [sflag:s8], $0x0  }
0x24: {  	s3 =	sadd.s32 $0x88, s3;
	s6 =	simm.s32 @!p1 $0x1082;
	[sflag:s4] =	ssyncset.s32 $0xFFFFF086  }
0x25: {  	[simem:s6], [sflag:s4] =	dma.local [hbm:s3], $0xF7A  }
0x26: {  	[smem:$0x3F9F] =	sst s1;
	(tag) =	ssettag s2;
	_ =	strace s9  }
0x27: {  	s1 =	sld [smem:$0x3FAF]  }
0x28: {  	s2 =	sld [smem:$0x3FB0]  }
0x29: {  	s4 =	sld [smem:$0x3FB2]  }
0x2a: {  	p0 =	seq.s32 s5, $0x0;
	s5 =	sld [smem:$0x3FB3]  }
0x2b: {  	s6 =	sld [smem:$0x3FB4]  }
0x2c: {  	s7 =	sld [smem:$0x3FB5]  }
0x2d: {  	s3 =	simm.s32 $0x108;
	s8 =	sld [smem:$0x3FB6]  }
0x2e: {  	s3 =	simm.s32 @!p0 $0x1082;
	s9 =	sld [smem:$0x3FB7]  }
0x2f: {  	lr =	sadd.s32 s0, s3;
	s0 =	sld [smem:$0x3FAE]  }
0x30: {  	s3 =	sld [smem:$0x3FB1]  }
0x31: {  	[smem:$0x3FBA] =	sst s10  }
0x32: {  	s10 =	sld [smem:$0x3FB8];
	_ =	sdelay $0x3  }
0x33: {  	p0 =	seq.s32 s10, $0x1;
	s10 =	sld [smem:$0x3FBA];
	_ =	sdelay $0x3  }
0x34: {  	[smem:$0x3FBA] =	sst s10  }
0x35: {  	s10 =	sld [smem:$0x3FB9];
	_ =	sdelay $0x3  }
0x36: {  	p1 =	seq.s32 s10, $0x1;
	s10 =	sld [smem:$0x3FBA];
	_ =	sdelay $0x3  }
0x37: {  	[smem:$0x3FBA] =	sst s10  }
0x38: {  	s10 =	sld [smem:$0x3FBB]  }
0x39: {  	_ = 	snop;
	(pc) =	sbr.ind lr, $3  }
0x3a: {  	_ = 	snop  }
0x3b: {  	_ = 	snop  }
0x3c: {  	p2 =	seq.s32 s10, $0x1;
	s10 =	sld [smem:$0x3FBA]  }
0x3d: {  	_ =	shalt  }
0x3e: {  	_ =	shalt  }
0x3f: {  	_ =	shalt  }
0x40: {  	_ =	shalt  }
0x41: {  	_ =	shalt  }
0x42: {  	_ =	shalt  }
0x43: {  	_ =	shalt  }
0x44: {  	_ =	shalt  }
0x45: {  	_ =	shalt  }
0x46: {  	_ =	shalt  }
0x47: {  	_ =	shalt  }
0x48: {  	_ =	shalt  }
0x49: {  	_ =	shalt  }
0x4a: {  	_ =	shalt  }
0x4b: {  	_ =	shalt  }
0x4c: {  	_ =	shalt  }
0x4d: {  	_ =	shalt  }
0x4e: {  	_ =	shalt  }
0x4f: {  	_ =	shalt  }
0x50: {  	_ =	shalt  }
0x51: {  	_ =	shalt  }
0x52: {  	_ =	shalt  }
0x53: {  	_ =	shalt  }
0x54: {  	_ =	shalt  }
0x55: {  	_ =	shalt  }
0x56: {  	_ =	shalt  }
0x57: {  	_ =	shalt  }
0x58: {  	_ =	shalt  }
0x59: {  	_ =	shalt  }
0x5a: {  	_ =	shalt  }
0x5b: {  	_ =	shalt  }
0x5c: {  	_ =	shalt  }
0x5d: {  	_ =	shalt  }
0x5e: {  	_ =	shalt  }
0x5f: {  	_ =	shalt  }
0x60: {  	_ =	shalt  }
0x61: {  	_ =	shalt  }
0x62: {  	_ =	shalt  }
0x63: {  	_ =	shalt  }
0x64: {  	_ =	shalt  }
0x65: {  	_ =	shalt  }
0x66: {  	_ =	shalt  }
0x67: {  	_ =	shalt  }
0x68: {  	_ =	shalt  }
0x69: {  	_ =	shalt  }
0x6a: {  	_ =	shalt  }
0x6b: {  	_ =	shalt  }
0x6c: {  	_ =	shalt  }
0x6d: {  	_ =	shalt  }
0x6e: {  	_ =	shalt  }
0x6f: {  	_ =	shalt  }
0x70: {  	_ =	shalt  }
0x71: {  	_ =	shalt  }
0x72: {  	_ =	shalt  }
0x73: {  	_ =	shalt  }
0x74: {  	_ =	shalt  }
0x75: {  	_ =	shalt  }
0x76: {  	_ =	shalt  }
0x77: {  	_ =	shalt  }
0x78: {  	_ =	shalt  }
0x79: {  	_ =	shalt  }
0x7a: {  	_ =	shalt  }
0x7b: {  	_ =	shalt  }
0x7c: {  	_ =	shalt  }
0x7d: {  	_ =	shalt  }
0x7e: {  	_ =	shalt  }
0x7f: {  	_ =	shalt  }
0x80: {  	_ =	shalt  }
0x81: {  	_ =	shalt  }
0x82: {  	_ =	shalt  }
0x83: {  	_ =	shalt  }
0x84: {  	_ =	shalt  }
0x85: {  	_ =	shalt  }
0x86: {  	_ =	shalt  }
0x87: {  	_ =	shalt  }
.Lfunc_end0:
.L_simem_size_0:
called_computation.1_lowered:
.L_overlay_start_0:
0x88: {  	s2 =	sld [smem:$0x3FD9]  }
0x89: {  	s3 =	sld [smem:$0x3FFE];
	_ =	sdelay $0x1  }
0x8a: {  	s1 =	srdreg.scid  }
0x8b: {  	s0 =	sand.u32 $0x1, s1  }
0x8c: {  	s17 =	sshll.u32 s0, $0xA;
	s2 =	sadd.s32 s3, s2  }
0x8d: {  	s2 =	sadd.s32 s2, s17  }
0x8e: {  	[smem:$0x3FC6] =	sst s2  }
0x8f: {  	_ = 	snop  }
0x90: {  	s2 =	sld [smem:$0x3FD0];
	(tm) =	ssettm $0x1  }
0x91: {  	s18 =	sld [smem:$0x3FFB];
	_ =	sdelay $0x3  }
0x92: {  	_ =	strace s18  }
0x93: {  	s3 =	sld [smem:$0x3FFC];
	_ =	sdelay $0x3  }
0x94: {  	_ =	strace s3  }
0x95: {  	s3 =	sld [smem:$0x3FFD];
	_ =	sdelay $0x3  }
0x96: {  	_ =	strace s3  }
0x97: {  	_ =	strace $0x8FFFFFFF  }
0x98: {  	s19 =	sld [smem:$0x3FDB];
	_ =	sdelay $0x1  }
0x99: {  	s4 =	simm.s32 $_scs_section_size  }
0x9a: {  	s5 =	simm.s32 $_size__tile_overlayer_lowered;
	s6 =	simm.s32 $_tile_overlayer_lowered  }
0x9b: {  	s22 =	simm.s32 $0x1BFF;
	s21 =	sshll.u32 s6, $0x1;
	s3 =	sadd.s32 s4, s19  }
0x9c: {  	s7 =	simm.s32 $0x0;
	s20 =	sshll.u32 s5, $0x1;
	s5 =	sadd.s32 s21, s3  }
0x9d: {  	[timem:s7], [sflag:s22] =	dma.local [hbm:s5], s20  }
0x9e: {  	_ =	swait.ge [sflag:s22], s20  }
0x9f: {  	s4 =	ssub.s32 $0x0, s20;
	[sflag:s22] =	ssyncset.done $0x0  }
0xa0: {  	[sflag:s22] =	ssyncadd.s32 s4;
	_ =	sdelay $0x1  }
0xa1: {  	s23 =	simm.s32 $0x1B8B  }
0xa2: {  	_ =	swait.ge [sflag:s23], $0x1  }
0xa3: {  	[sflag:s23] =	ssyncset.done $0x0  }
0xa4: {  	s25 =	simm.s32 $0x1B8E;
	s24 =	sld [smem:$0x3FFE];
	[sflag:s23] =	ssyncadd.s32 $0xFFFFFFFF  }
0xa5: {  	s26 =	simm.s32 $execute0_lowered;
	[smem:$0x3FD2] =	sst s25  }
0xa6: {  	s5 =	sshll.u32 s26, $0x1;
	_ =	strace $0x80000046;
	[dreg:$0x1] =	wrdreg $0xFFFFFFFF  }
0xa7: {  	s28 =	simm.s32 $_size_execute0_lowered;
	s3 =	sadd.s32 s3, s5;
	[dreg:$0x0] =	wrdreg $0x0  }
0xa8: {  	s5 =	sshll.u32 s28, $0x1;
	[dreg:$0x2] =	wrdreg s3  }
0xa9: {  	[dreg:$0x3] =	wrdreg s5  }
0xaa: {  	[dreg:$0x4] =	wrdreg $0xC0  }
0xab: {  	_ =	task [dreg:s7], $0x5FFFF  }
0xac: {  	[dreg:$0x1] =	wrdreg $0xFFFFFFFF  }
0xad: {  	[dreg:$0x0] =	wrdreg $0x60  }
0xae: {  	[dreg:$0x2] =	wrdreg s2  }
0xaf: {  	[dreg:$0x3] =	wrdreg s24  }
0xb0: {  	[dreg:$0x4] =	wrdreg $0x9  }
0xb1: {  	_ =	task.clear_ibuf [dreg:s7], $0x5FFFF;
	_ =	strace $0x90000046  }
0xb2: {  	s29 =	simm.s32 $0x9;
	_ =	strace $0x80000048  }
0xb3: {  	_ =	swait.ge [sflag:s29], $0x1  }
0xb4: {  	[sflag:s29] =	ssyncadd.s32 $0xFFFFFFFF  }
0xb5: {  	_ =	strace $0x90000048  }
0xb6: {  	_ =	sfence  }
0xb7: {  	s30 =	sld [smem:$0x0];
	_ =	sdelay $0x2  }
0xb8: {  	s31 =	sshll.u32 s1, $0xD;
	s1 =	sshrl.u32 s1, $0x2  }
0xb9: {  	s3 =	sand.u32 $0x4000, s31;
	s1 =	sadd.s32 s1, s30  }
0xba: {  	s0 =	sor.u32 s3, s0;
	s1 =	sshll.u32 s1, $0x11  }
0xbb: {  	s0 =	sor.u32 s1, s0  }
0xbc: {  	s0 =	sadd.s32 $0x8F2B, s0  }
0xbd: {  	[sflag:s0] =	ssyncadd.remote.s32 $0x1  }
0xbe: {  	_ =	sfence.sel $0xFFFF  }
0xbf: {  	[dreg:$0x0] =	wrdreg $0xFFFFFFFF;
	(pc) =	sbr.abs _section_cstart, $3  }
0xc0: {  	[dreg:$0x1] =	wrdreg $0xFFFFFFFF  }
0xc1: {  	_ =	task.clear_ibuf [dreg:s7], $0x2FFFF;
	_ =	strace $0x9FFFFFFF  }
0xc2: {  	(tm) =	ssettm $0x7FFFFFFF  }
0xc3: {  	_ =	shalt  }
tec
execute0_lowered:
.L_overlay_start_1:
0x0: {  	(tag) =	ssettag $0x1  }
0x1: {  	s0 =	rddreg [dreg:$0x0]  }
0x2: {  	s1 =	rddreg [dreg:$0x1]  }
0x3: {  	s3 =	srdreg.scid;
	s2 =	simm.s32 $0x0;
	s9 =	stileid.u32  }
0x4: {  	s11 =	simm.s32 $0x5;
	s12 =	simm.s32 $0x32;
	s13 =	simm.s32 $0x10000  }
0x5: {  	s15 =	simm.s32 $0x11C00;
	s17 =	simm.s32 $0x13800;
	s19 =	simm.s32 $0x15400  }
0x6: {  	s21 =	simm.s32 $0x17000;
	s23 =	simm.s32 $0x18C00;
	s28 =	simm.s32 $0x1C400  }
0x7: {  	s29 =	simm.s32 $0x1;
	s30 =	simm.s32 $0x3;
	s16 =	simm.s32 $0x2  }
0x8: {  	s18 =	simm.s32 $0x4;
	s22 =	simm.s32 $0xFE80;
	s31 =	simm.s32 $0x0  }
0x9: {  	s4 =	sand.u32 $0x1, s3;
	[smem:$0x7FF] =	sst s2;
	s24 =	sshll.u32 s9, $0xA  }
0xa: {  	s3 =	sadd.s32 $0xF42E00, s1;
	s1 =	sadd.s32 $0xA00, s1;
	s9 =	smul.u32 $0xE0000, s9  }
0xb: {  	s5 =	sshll.u32 s4, $0x9;
	_ =	strace $0x80000047;
	s6 =	ssub.s32 $0x2, s4  }
0xc: {  	s25 =	smul.u32 $0x70000, s4;
	s5 =	sor.u32 s5, s24;
	s8 =	sshrl.u32 s6, $0x1  }
0xd: {  	s26 =	sadd.s32 s9, s1;
	s7 =	smul.u32 $0x380, s5;
	s5 =	sshll.u32 s5, $0x4  }
0xe: {  	s24 =	simm.s32 $0xFF00;
	s6 =	ssub.s32 s6, s8;
	s4 =	sadd.s32 s0, s5  }
0xf: {  	s6 =	smax.u32 s6, $0x1;
	s0 =	sadd.s32 s25, s26;
	s25 =	simm.s32 $0x1A800  }
0x10: {  	s26 =	simm.s32 $0xFF80;
	s5 =	sadd.s32 s1, s7;
	s10 =	sadd.s32 $0x1C00, s0  }
0x11: {  	s7 =	sadd.s32 $0xE00, s5;
	s8 =	sadd.s32 $0x6E400, s5;
	s9 =	sadd.s32 $0x6F200, s5  }
.LBB2_1:
0x12: {  	[tilespmem:s2], [sflag:$0x5] =	stream.linear.gather [hbm4b:s4+s2], $0x10000, $0x38;
	[tilespmem:$0x1E000] =	vst v63  }
0x13: {  	_ =	swait.ge [sflag:s11], $0x10000  }
0x14: {  	[sflag:s11] =	ssyncset.done $0x0  }
0x15: {  	[sflag:s11] =	ssyncadd.s32 $0xFFFF0000  }
0x16: {  	[tilespmem:s13], [sflag:$0x1] =	stream.indirect.gather [hbm4b:s3+s12], $0x80, s2, s12, $0xb8;
	[tilespmem:$0x1E000] =	vst v63  }
0x17: {  	s0 =	simm.s32 $0x80  }
0x18: {  	[tilespmem:s15], [sflag:$0x1] =	stream.indirect.gather [hbm4b:s3+s12], $0x80, s0, s12, $0xb8;
	[tilespmem:$0x1E000] =	vst v63  }
0x19: {  	s1 =	simm.s32 $0x100  }
0x1a: {  	[tilespmem:s17], [sflag:$0x1] =	stream.indirect.gather [hbm4b:s3+s12], $0x80, s1, s12, $0xb8;
	[tilespmem:$0x1E000] =	vst v63  }
0x1b: {  	s14 =	simm.s32 $0x180  }
0x1c: {  	[tilespmem:s19], [sflag:$0x1] =	stream.indirect.gather [hbm4b:s3+s12], $0x80, s14, s12, $0xb8;
	[tilespmem:$0x1E000] =	vst v63  }
0x1d: {  	s20 =	simm.s32 $0x200  }
0x1e: {  	[tilespmem:s21], [sflag:$0x2] =	stream.indirect.gather [hbm4b:s3+s12], $0x80, s20, s12, $0xb8;
	[tilespmem:$0x1E000] =	vst v63  }
0x1f: {  	s1 =	simm.s32 $0x280  }
0x20: {  	[tilespmem:s23], [sflag:$0x2] =	stream.indirect.gather [hbm4b:s3+s12], $0x80, s1, s12, $0xb8;
	[tilespmem:$0x1E000] =	vst v63  }
0x21: {  	s14 =	simm.s32 $0x300  }
0x22: {  	[tilespmem:s25], [sflag:$0x2] =	stream.indirect.gather [hbm4b:s3+s12], $0x80, s14, s12, $0xb8;
	[tilespmem:$0x1E000] =	vst v63  }
0x23: {  	s20 =	simm.s32 $0x380  }
0x24: {  	[tilespmem:s28], [sflag:$0x2] =	stream.indirect.gather [hbm4b:s3+s12], $0x80, s20, s12, $0xb8;
	[tilespmem:$0x1E000] =	vst v63  }
0x25: {  	_ =	swait.ge [sflag:s29], $0x1900  }
0x26: {  	[sflag:s29] =	ssyncset.done $0x0  }
0x27: {  	[sflag:s29] =	ssyncadd.s32 $0xFFFFE700  }
0x28: {  	_ =	swait.ge [sflag:s29], $0x1900  }
0x29: {  	[sflag:s29] =	ssyncset.done $0x0  }
0x2a: {  	[sflag:s29] =	ssyncadd.s32 $0xFFFFE700  }
0x2b: {  	_ =	swait.ge [sflag:s29], $0x1900  }
0x2c: {  	[sflag:s29] =	ssyncset.done $0x0  }
0x2d: {  	[sflag:s29] =	ssyncadd.s32 $0xFFFFE700  }
0x2e: {  	_ =	swait.ge [sflag:s29], $0x1900  }
0x2f: {  	[sflag:s29] =	ssyncset.done $0x0  }
0x30: {  	[sflag:s29] =	ssyncadd.s32 $0xFFFFE700  }
0x31: {  	[hbm4b:s5+s2] =	stream.linear.scatter [tilespmem:s13], [sflag:$0x3], $0x7000, $0x38;
	[tilespmem:$0x1E000] =	vst v63  }
0x32: {  	_ =	swait.ge [sflag:s30], $0x7000  }
0x33: {  	[sflag:s30] =	ssyncset.done $0x0  }
0x34: {  	s1 =	simm.s32 $0x400;
	[sflag:s30] =	ssyncadd.s32 $0xFFFF9000  }
0x35: {  	[tilespmem:s13], [sflag:$0x1] =	stream.indirect.gather [hbm4b:s3+s12], $0x80, s1, s12, $0xb8;
	[tilespmem:$0x1E000] =	vst v63  }
0x36: {  	s14 =	simm.s32 $0x480  }
0x37: {  	[tilespmem:s15], [sflag:$0x1] =	stream.indirect.gather [hbm4b:s3+s12], $0x80, s14, s12, $0xb8;
	[tilespmem:$0x1E000] =	vst v63  }
0x38: {  	s20 =	simm.s32 $0x500  }
0x39: {  	[tilespmem:s17], [sflag:$0x1] =	stream.indirect.gather [hbm4b:s3+s12], $0x80, s20, s12, $0xb8;
	[tilespmem:$0x1E000] =	vst v63  }
0x3a: {  	s1 =	simm.s32 $0x580  }
0x3b: {  	[tilespmem:s19], [sflag:$0x1] =	stream.indirect.gather [hbm4b:s3+s12], $0x80, s1, s12, $0xb8;
	[tilespmem:$0x1E000] =	vst v63  }
0x3c: {  	_ =	swait.ge [sflag:s16], $0x1900  }
0x3d: {  	[sflag:s16] =	ssyncset.done $0x0  }
0x3e: {  	[sflag:s16] =	ssyncadd.s32 $0xFFFFE700  }
0x3f: {  	_ =	swait.ge [sflag:s16], $0x1900  }
0x40: {  	[sflag:s16] =	ssyncset.done $0x0  }
0x41: {  	[sflag:s16] =	ssyncadd.s32 $0xFFFFE700  }
0x42: {  	_ =	swait.ge [sflag:s16], $0x1900  }
0x43: {  	[sflag:s16] =	ssyncset.done $0x0  }
0x44: {  	[sflag:s16] =	ssyncadd.s32 $0xFFFFE700  }
0x45: {  	_ =	swait.ge [sflag:s16], $0x1900  }
0x46: {  	[sflag:s16] =	ssyncset.done $0x0  }
0x47: {  	[sflag:s16] =	ssyncadd.s32 $0xFFFFE700  }
0x48: {  	[hbm4b:s7+s2] =	stream.linear.scatter [tilespmem:s21], [sflag:$0x4], $0x7000, $0x38;
	[tilespmem:$0x1E000] =	vst v63  }
0x49: {  	_ =	swait.ge [sflag:s18], $0x7000  }
0x4a: {  	[sflag:s18] =	ssyncset.done $0x0  }
0x4b: {  	s14 =	simm.s32 $0x600;
	[sflag:s18] =	ssyncadd.s32 $0xFFFF9000  }
0x4c: {  	[tilespmem:s21], [sflag:$0x2] =	stream.indirect.gather [hbm4b:s3+s12], $0x80, s14, s12, $0xb8;
	[tilespmem:$0x1E000] =	vst v63  }
0x4d: {  	s20 =	simm.s32 $0x680  }
0x4e: {  	[tilespmem:s23], [sflag:$0x2] =	stream.indirect.gather [hbm4b:s3+s12], $0x80, s20, s12, $0xb8;
	[tilespmem:$0x1E000] =	vst v63  }
0x4f: {  	s1 =	simm.s32 $0x700  }
0x50: {  	[tilespmem:s25], [sflag:$0x2] =	stream.indirect.gather [hbm4b:s3+s12], $0x80, s1, s12, $0xb8;
	[tilespmem:$0x1E000] =	vst v63  }
0x51: {  	s14 =	simm.s32 $0x780  }
0x52: {  	[tilespmem:s28], [sflag:$0x2] =	stream.indirect.gather [hbm4b:s3+s12], $0x80, s14, s12, $0xb8;
	[tilespmem:$0x1E000] =	vst v63  }
0x53: {  	_ =	swait.ge [sflag:s29], $0x1900  }
0x54: {  	[sflag:s29] =	ssyncset.done $0x0  }
0x55: {  	[sflag:s29] =	ssyncadd.s32 $0xFFFFE700  }
0x56: {  	_ =	swait.ge [sflag:s29], $0x1900  }
0x57: {  	[sflag:s29] =	ssyncset.done $0x0  }
0x58: {  	[sflag:s29] =	ssyncadd.s32 $0xFFFFE700  }
0x59: {  	_ =	swait.ge [sflag:s29], $0x1900  }
0x5a: {  	[sflag:s29] =	ssyncset.done $0x0  }
0x5b: {  	[sflag:s29] =	ssyncadd.s32 $0xFFFFE700  }
0x5c: {  	_ =	swait.ge [sflag:s29], $0x1900  }
0x5d: {  	[sflag:s29] =	ssyncset.done $0x0  }
0x5e: {  	[sflag:s29] =	ssyncadd.s32 $0xFFFFE700  }
0x5f: {  	[hbm4b:s10+s2] =	stream.linear.scatter [tilespmem:s13], [sflag:$0x3], $0x7000, $0x38;
	[tilespmem:$0x1E000] =	vst v63  }
0x60: {  	_ =	swait.ge [sflag:s30], $0x7000  }
0x61: {  	[sflag:s30] =	ssyncset.done $0x0  }
0x62: {  	s20 =	simm.s32 $0x800;
	[sflag:s30] =	ssyncadd.s32 $0xFFFF9000  }
0x63: {  	[tilespmem:s13], [sflag:$0x1] =	stream.indirect.gather [hbm4b:s3+s12], $0x80, s20, s12, $0xb8;
	[tilespmem:$0x1E000] =	vst v63  }
0x64: {  	s1 =	simm.s32 $0x880  }
0x65: {  	[tilespmem:s15], [sflag:$0x1] =	stream.indirect.gather [hbm4b:s3+s12], $0x80, s1, s12, $0xb8;
	[tilespmem:$0x1E000] =	vst v63  }
0x66: {  	s14 =	simm.s32 $0x900  }
0x67: {  	[tilespmem:s17], [sflag:$0x1] =	stream.indirect.gather [hbm4b:s3+s12], $0x80, s14, s12, $0xb8;
	[tilespmem:$0x1E000] =	vst v63  }
0x68: {  	s20 =	simm.s32 $0x980  }
0x69: {  	[tilespmem:s19], [sflag:$0x1] =	stream.indirect.gather [hbm4b:s3+s12], $0x80, s20, s12, $0xb8;
	[tilespmem:$0x1E000] =	vst v63  }
0x6a: {  	_ =	swait.ge [sflag:s16], $0x1900  }
0x6b: {  	[sflag:s16] =	ssyncset.done $0x0  }
0x6c: {  	[sflag:s16] =	ssyncadd.s32 $0xFFFFE700  }
0x6d: {  	_ =	swait.ge [sflag:s16], $0x1900  }
0x6e: {  	[sflag:s16] =	ssyncset.done $0x0  }
0x6f: {  	[sflag:s16] =	ssyncadd.s32 $0xFFFFE700  }
0x70: {  	_ =	swait.ge [sflag:s16], $0x1900  }
0x71: {  	[sflag:s16] =	ssyncset.done $0x0  }
0x72: {  	[sflag:s16] =	ssyncadd.s32 $0xFFFFE700  }
0x73: {  	_ =	swait.ge [sflag:s16], $0x1900  }
0x74: {  	s0 =	simm.s32 $0x1000;
	[sflag:s16] =	ssyncset.done $0x0  }
0x75: {  	s1 =	sadd.s32 $0x1C00, s10;
	s14 =	sadd.s32 $0xE00, s10;
	[sflag:s16] =	ssyncadd.s32 $0xFFFFE700  }
.LBB2_2:
0x76: {  	[hbm4b:s14+s2] =	stream.linear.scatter [tilespmem:s21], [sflag:$0x4], $0x7000, $0x38;
	[tilespmem:$0x1E000] =	vst v63  }
0x77: {  	s14 =	smov.u32 s0  }
0x78: {  	p0 =	sne.s32 s0, $0x3D000;
	s0 =	sadd.s32 $0x1000, s0;
	_ =	swait.ge [sflag:s18], $0x7000  }
0x79: {  	s14 =	sshra.s32 s14, $0x2;
	[sflag:s18] =	ssyncset.done $0x0  }
0x7a: {  	s20 =	sadd.s32 $0x600, s14;
	[sflag:s18] =	ssyncadd.s32 $0xFFFF9000  }
0x7b: {  	[tilespmem:s21], [sflag:$0x2] =	stream.indirect.gather [hbm4b:s3+s12], $0x80, s20, s12, $0xb8;
	[tilespmem:$0x1E000] =	vst v63  }
0x7c: {  	s20 =	sadd.s32 $0x680, s14  }
0x7d: {  	[tilespmem:s23], [sflag:$0x2] =	stream.indirect.gather [hbm4b:s3+s12], $0x80, s20, s12, $0xb8;
	[tilespmem:$0x1E000] =	vst v63  }
0x7e: {  	s20 =	sadd.s32 $0x700, s14  }
0x7f: {  	[tilespmem:s25], [sflag:$0x2] =	stream.indirect.gather [hbm4b:s3+s12], $0x80, s20, s12, $0xb8;
	[tilespmem:$0x1E000] =	vst v63  }
0x80: {  	s20 =	sadd.s32 $0x780, s14  }
0x81: {  	[tilespmem:s28], [sflag:$0x2] =	stream.indirect.gather [hbm4b:s3+s12], $0x80, s20, s12, $0xb8;
	[tilespmem:$0x1E000] =	vst v63  }
0x82: {  	_ =	swait.ge [sflag:s29], $0x1900  }
0x83: {  	[sflag:s29] =	ssyncset.done $0x0  }
0x84: {  	[sflag:s29] =	ssyncadd.s32 $0xFFFFE700  }
0x85: {  	_ =	swait.ge [sflag:s29], $0x1900  }
0x86: {  	[sflag:s29] =	ssyncset.done $0x0  }
0x87: {  	[sflag:s29] =	ssyncadd.s32 $0xFFFFE700  }
0x88: {  	_ =	swait.ge [sflag:s29], $0x1900  }
0x89: {  	[sflag:s29] =	ssyncset.done $0x0  }
0x8a: {  	[sflag:s29] =	ssyncadd.s32 $0xFFFFE700  }
0x8b: {  	_ =	swait.ge [sflag:s29], $0x1900  }
0x8c: {  	[sflag:s29] =	ssyncset.done $0x0  }
0x8d: {  	[sflag:s29] =	ssyncadd.s32 $0xFFFFE700  }
0x8e: {  	[hbm4b:s1+s2] =	stream.linear.scatter [tilespmem:s13], [sflag:$0x3], $0x7000, $0x38;
	[tilespmem:$0x1E000] =	vst v63  }
0x8f: {  	_ =	swait.ge [sflag:s30], $0x7000  }
0x90: {  	[sflag:s30] =	ssyncset.done $0x0  }
0x91: {  	s20 =	sadd.s32 $0x800, s14;
	[sflag:s30] =	ssyncadd.s32 $0xFFFF9000  }
0x92: {  	[tilespmem:s13], [sflag:$0x1] =	stream.indirect.gather [hbm4b:s3+s12], $0x80, s20, s12, $0xb8;
	[tilespmem:$0x1E000] =	vst v63  }
0x93: {  	s20 =	sadd.s32 $0x880, s14  }
0x94: {  	[tilespmem:s15], [sflag:$0x1] =	stream.indirect.gather [hbm4b:s3+s12], $0x80, s20, s12, $0xb8;
	[tilespmem:$0x1E000] =	vst v63  }
0x95: {  	s20 =	sadd.s32 $0x900, s14  }
0x96: {  	[tilespmem:s17], [sflag:$0x1] =	stream.indirect.gather [hbm4b:s3+s12], $0x80, s20, s12, $0xb8;
	[tilespmem:$0x1E000] =	vst v63  }
0x97: {  	s14 =	sadd.s32 $0x980, s14  }
0x98: {  	[tilespmem:s19], [sflag:$0x1] =	stream.indirect.gather [hbm4b:s3+s12], $0x80, s14, s12, $0xb8;
	[tilespmem:$0x1E000] =	vst v63  }
0x99: {  	_ =	swait.ge [sflag:s16], $0x1900  }
0x9a: {  	[sflag:s16] =	ssyncset.done $0x0  }
0x9b: {  	[sflag:s16] =	ssyncadd.s32 $0xFFFFE700  }
0x9c: {  	_ =	swait.ge [sflag:s16], $0x1900  }
0x9d: {  	[sflag:s16] =	ssyncset.done $0x0  }
0x9e: {  	[sflag:s16] =	ssyncadd.s32 $0xFFFFE700  }
0x9f: {  	_ =	swait.ge [sflag:s16], $0x1900  }
.Ltmp0:
0xa0: {  	[sflag:s16] =	ssyncset.done $0x0;
	(pc) =	sbr.rel @p0 .LBB2_2-.Ltmp0, $4  }
0xa1: {  	[sflag:s16] =	ssyncadd.s32 $0xFFFFE700  }
0xa2: {  	_ =	swait.ge [sflag:s16], $0x1900  }
0xa3: {  	[sflag:s16] =	ssyncset.done $0x0  }
0xa4: {  	s14 =	sadd.s32 $0xE00, s1;
	s1 =	sadd.s32 $0x1C00, s1;
	[sflag:s16] =	ssyncadd.s32 $0xFFFFE700  }
0xa5: {  	[hbm4b:s14+s2] =	stream.linear.scatter [tilespmem:s21], [sflag:$0x4], $0x7000, $0x38;
	[tilespmem:$0x1E000] =	vst v63  }
0xa6: {  	_ =	swait.ge [sflag:s18], $0x7000  }
0xa7: {  	[sflag:s18] =	ssyncset.done $0x0  }
0xa8: {  	s0 =	simm.s32 $0xFE00;
	[sflag:s18] =	ssyncadd.s32 $0xFFFF9000  }
0xa9: {  	[tilespmem:s21], [sflag:$0x2] =	stream.indirect.gather [hbm4b:s3+s12], $0x80, s0, s12, $0xb8;
	[tilespmem:$0x1E000] =	vst v63  }
0xaa: {  	_ = 	snop  }
0xab: {  	[tilespmem:s23], [sflag:$0x2] =	stream.indirect.gather [hbm4b:s3+s12], $0x80, s22, s12, $0xb8;
	[tilespmem:$0x1E000] =	vst v63  }
0xac: {  	_ = 	snop  }
0xad: {  	[tilespmem:s25], [sflag:$0x2] =	stream.indirect.gather [hbm4b:s3+s12], $0x80, s24, s12, $0xb8;
	[tilespmem:$0x1E000] =	vst v63  }
0xae: {  	_ = 	snop  }
0xaf: {  	[tilespmem:s28], [sflag:$0x2] =	stream.indirect.gather [hbm4b:s3+s12], $0x80, s26, s12, $0xb8;
	[tilespmem:$0x1E000] =	vst v63  }
0xb0: {  	_ =	swait.ge [sflag:s29], $0x1900  }
0xb1: {  	[sflag:s29] =	ssyncset.done $0x0  }
0xb2: {  	[sflag:s29] =	ssyncadd.s32 $0xFFFFE700  }
0xb3: {  	_ =	swait.ge [sflag:s29], $0x1900  }
0xb4: {  	[sflag:s29] =	ssyncset.done $0x0  }
0xb5: {  	[sflag:s29] =	ssyncadd.s32 $0xFFFFE700  }
0xb6: {  	_ =	swait.ge [sflag:s29], $0x1900  }
0xb7: {  	[sflag:s29] =	ssyncset.done $0x0  }
0xb8: {  	[sflag:s29] =	ssyncadd.s32 $0xFFFFE700  }
0xb9: {  	_ =	swait.ge [sflag:s29], $0x1900  }
0xba: {  	[sflag:s29] =	ssyncset.done $0x0  }
0xbb: {  	[sflag:s29] =	ssyncadd.s32 $0xFFFFE700  }
0xbc: {  	[hbm4b:s8+s2] =	stream.linear.scatter [tilespmem:s13], [sflag:$0x3], $0x7000, $0x38;
	[tilespmem:$0x1E000] =	vst v63  }
0xbd: {  	_ =	swait.ge [sflag:s30], $0x7000  }
0xbe: {  	[sflag:s30] =	ssyncset.done $0x0  }
0xbf: {  	[sflag:s30] =	ssyncadd.s32 $0xFFFF9000  }
0xc0: {  	_ =	swait.ge [sflag:s16], $0x1900  }
0xc1: {  	[sflag:s16] =	ssyncset.done $0x0  }
0xc2: {  	[sflag:s16] =	ssyncadd.s32 $0xFFFFE700  }
0xc3: {  	_ =	swait.ge [sflag:s16], $0x1900  }
0xc4: {  	[sflag:s16] =	ssyncset.done $0x0  }
0xc5: {  	[sflag:s16] =	ssyncadd.s32 $0xFFFFE700  }
0xc6: {  	_ =	swait.ge [sflag:s16], $0x1900  }
0xc7: {  	[sflag:s16] =	ssyncset.done $0x0  }
0xc8: {  	[sflag:s16] =	ssyncadd.s32 $0xFFFFE700  }
0xc9: {  	s31 =	sadd.s32 $0x1, s31;
	_ =	swait.ge [sflag:s16], $0x1900  }
0xca: {  	p0 =	sne.s32 s31, s6;
	[sflag:s16] =	ssyncset.done $0x0  }
.Ltmp1:
0xcb: {  	[sflag:s16] =	ssyncadd.s32 $0xFFFFE700;
	(pc) =	sbr.rel @p0 .LBB2_1-.Ltmp1, $4  }
0xcc: {  	[hbm4b:s9+s2] =	stream.linear.scatter [tilespmem:s21], [sflag:$0x4], $0x7000, $0x38;
	[tilespmem:$0x1E000] =	vst v63  }
0xcd: {  	_ =	swait.ge [sflag:s18], $0x7000  }
0xce: {  	[sflag:s18] =	ssyncset.done $0x0  }
0xcf: {  	[sflag:s18] =	ssyncadd.s32 $0xFFFF9000  }
0xd0: {  	_ =	sfence.sel $0x180000  }
0xd1: {  	[bflag:$0x0] =	sbarrier.arrive $0xFFFF  }
0xd2: {  	_ =	strace $0x90000047  }
0xd3: {  	s0 =	stileid.u32;
	[bflag:$0x2] =	sbarrier.arrive $0xFFFF  }
0xd4: {  	p0 =	sne.s32 s0, $0x0;
	s0 =	rddreg [dreg:$0x2]  }
0xd5: {  	s0 =	sadd.s32 @!p0 $0x100000, s0  }
0xd6: {  	[sflag:s0] =	ssyncadd.tile.s32 @!p0 $0x1;
	_ =	shalt  }
.Lfunc_end2:
_tile_overlayer_lowered:
.L_overlay_start_2:
0xd7: {  	(tag) =	ssettag $0x2  }
0xd8: {  	s0 =	rddreg [dreg:$0x0];
	s2 =	stileid.u32  }
0xd9: {  	s1 =	rddreg [dreg:$0x1];
	p0 =	sne.s32 s2, $0x0  }
0xda: {  	s3 =	rddreg [dreg:$0x2];
	[bflag:$0x3] =	sbarrier.arrive $0xFFFF;
	s2 =	simm.s32 @!p0 $0x1C05  }
0xdb: {  	[timem:s3], [sflag:s2] =	dma.local @!p0 [hbm:s0], s1  }
0xdc: {  	s0 =	simm.s32 @!p0 $0x5  }
0xdd: {  	_ =	swait.ge @!p0 [sflag:s0], s1  }
0xde: {  	s1 =	ssub.s32 @!p0 $0x0, s1;
	[sflag:s0] =	ssyncset.done @!p0 $0x0  }
0xdf: {  	[sflag:s0] =	ssyncadd.s32 @!p0 s1  }
0xe0: {  	[bflag:$0x3] =	sbarrier.arrive $0xFFFF  }
0xe1: {  	_ =	shalt  }

// kernel: sparse-core-data-format-call.cloned.1.call-start
scs
called_computation_lowered:
.L_overlay_start_0:
0x0: {  	s2 =	sld [smem:$0x3FD9]  }
0x1: {  	s3 =	sld [smem:$0x3FFE];
	_ =	sdelay $0x1  }
0x2: {  	s1 =	srdreg.scid  }
0x3: {  	s0 =	sand.u32 $0x1, s1  }
0x4: {  	s18 =	sshll.u32 s0, $0xA;
	s2 =	sadd.s32 s3, s2  }
0x5: {  	s2 =	sadd.s32 s2, s18  }
0x6: {  	[smem:$0x3FC6] =	sst s2  }
0x7: {  	_ = 	snop  }
0x8: {  	s2 =	sld [smem:$0x3FD0];
	(tm) =	ssettm $0x1  }
0x9: {  	s19 =	sld [smem:$0x3FFB];
	_ =	sdelay $0x3  }
0xa: {  	_ =	strace s19  }
0xb: {  	s3 =	sld [smem:$0x3FFC];
	_ =	sdelay $0x3  }
0xc: {  	_ =	strace s3  }
0xd: {  	s3 =	sld [smem:$0x3FFD];
	_ =	sdelay $0x3  }
0xe: {  	_ =	strace s3  }
0xf: {  	_ =	strace $0x8FFFFFFF  }
0x10: {  	s20 =	sld [smem:$0x3FDB];
	_ =	sdelay $0x1  }
0x11: {  	s4 =	simm.s32 $_scs_section_size  }
0x12: {  	s5 =	simm.s32 $_size__tile_overlayer_lowered;
	s6 =	simm.s32 $_tile_overlayer_lowered  }
0x13: {  	s23 =	simm.s32 $0x1BFF;
	s22 =	sshll.u32 s6, $0x1;
	s3 =	sadd.s32 s4, s20  }
0x14: {  	s7 =	simm.s32 $0x0;
	s21 =	sshll.u32 s5, $0x1;
	s5 =	sadd.s32 s22, s3  }
0x15: {  	[timem:s7], [sflag:s23] =	dma.local [hbm:s5], s21  }
0x16: {  	_ =	swait.ge [sflag:s23], s21  }
0x17: {  	s4 =	ssub.s32 $0x0, s21;
	[sflag:s23] =	ssyncset.done $0x0  }
0x18: {  	[sflag:s23] =	ssyncadd.s32 s4;
	_ =	sdelay $0x1  }
0x19: {  	s24 =	simm.s32 $0x1B8B  }
0x1a: {  	_ =	swait.ge [sflag:s24], $0x1  }
0x1b: {  	[sflag:s24] =	ssyncset.done $0x0  }
0x1c: {  	s26 =	simm.s32 $0x1B8E;
	s25 =	sld [smem:$0x3FFE];
	[sflag:s24] =	ssyncadd.s32 $0xFFFFFFFF  }
0x1d: {  	s27 =	simm.s32 $execute0_lowered;
	[smem:$0x3FD2] =	sst s26  }
0x1e: {  	s5 =	sshll.u32 s27, $0x1;
	_ =	strace $0x80000049;
	[dreg:$0x1] =	wrdreg $0xFFFFFFFF  }
0x1f: {  	s28 =	simm.s32 $_size_execute0_lowered;
	s3 =	sadd.s32 s3, s5;
	[dreg:$0x0] =	wrdreg $0x0  }
0x20: {  	s5 =	sshll.u32 s28, $0x1;
	[dreg:$0x2] =	wrdreg s3  }
0x21: {  	[dreg:$0x3] =	wrdreg s5  }
0x22: {  	[dreg:$0x4] =	wrdreg $0xC0  }
0x23: {  	_ =	task [dreg:s7], $0x5FFFF  }
0x24: {  	[dreg:$0x1] =	wrdreg $0xFFFFFFFF  }
0x25: {  	[dreg:$0x0] =	wrdreg $0x60  }
0x26: {  	[dreg:$0x2] =	wrdreg s25  }
0x27: {  	[dreg:$0x3] =	wrdreg s2  }
0x28: {  	[dreg:$0x4] =	wrdreg $0x9  }
0x29: {  	_ =	task.clear_ibuf [dreg:s7], $0x5FFFF;
	_ =	strace $0x90000049  }
0x2a: {  	s29 =	simm.s32 $0x9;
	_ =	strace $0x8000004B  }
0x2b: {  	_ =	swait.ge [sflag:s29], $0x1  }
0x2c: {  	[sflag:s29] =	ssyncadd.s32 $0xFFFFFFFF  }
0x2d: {  	_ =	strace $0x9000004B  }
0x2e: {  	_ =	sfence  }
0x2f: {  	s30 =	sld [smem:$0x0];
	_ =	sdelay $0x2  }
0x30: {  	s31 =	sshll.u32 s1, $0xD;
	s1 =	sshrl.u32 s1, $0x2  }
0x31: {  	s3 =	sand.u32 $0x4000, s31;
	s1 =	sadd.s32 s1, s30  }
0x32: {  	s0 =	sor.u32 s3, s0;
	s1 =	sshll.u32 s1, $0x11  }
0x33: {  	s0 =	sor.u32 s1, s0  }
0x34: {  	s0 =	sadd.s32 $0x8F2B, s0  }
0x35: {  	[sflag:s0] =	ssyncadd.remote.s32 $0x1  }
0x36: {  	_ =	sfence.sel $0xFFFF  }
0x37: {  	[dreg:$0x0] =	wrdreg $0xFFFFFFFF;
	(pc) =	sbr.abs _section_cstart, $3  }
0x38: {  	[dreg:$0x1] =	wrdreg $0xFFFFFFFF  }
0x39: {  	_ =	task.clear_ibuf [dreg:s7], $0x2FFFF;
	_ =	strace $0x9FFFFFFF  }
0x3a: {  	(tm) =	ssettm $0x7FFFFFFF  }
0x3b: {  	_ =	shalt  }
tec
execute0_lowered:
.L_overlay_start_1:
0x0: {  	(tag) =	ssettag $0x1  }
0x1: {  	s0 =	srdreg.scid  }
0x2: {  	s1 =	sshll.u32 s0, $0x4  }
0x3: {  	s0 =	stileid.u32;
	s1 =	sand.u32 $0x10, s1  }
0x4: {  	s1 =	sor.u32 s0, s1  }
0x5: {  	s6 =	rddreg [dreg:$0x0];
	s4 =	simm.s32 $0x1;
	s2 =	sshll.u32 s1, $0x7  }
0x6: {  	s7 =	simm.s32 $0x2;
	s12 =	simm.s32 $0x0;
	s1 =	ssub.s32 $0x4000, s2  }
0x7: {  	s8 =	simm.s32 $0x20000;
	s13 =	simm.s32 $0x0;
	s3 =	sand.u32 $0xF80, s1  }
0x8: {  	s9 =	simm.s32 $0x0;
	s5 =	sshrl.u32 s1, $0xC;
	p0 =	sne.s32 s3, $0x0  }
.Ltmp0:
0x9: {  	s1 =	rddreg [dreg:$0x2];
	s4 =	simm.s32 @!p0 $0x0;
	(pc) =	sbr.rel .LBB1_1-.Ltmp0, $4  }
0xa: {  	s11 =	simm.s32 $0x0;
	s3 =	rddreg [dreg:$0x1];
	s5 =	sadd.s32 s4, s5  }
0xb: {  	_ =	strace $0x8000004A;
	s4 =	simm.s32 $0x1;
	s5 =	smul.u32 $0x32, s5  }
0xc: {  	s6 =	sadd.s32 $0xA00, s6;
	s10 =	smov.u32 s2;
	[sflag:s4] =	ssyncpa.u1 $0x0  }
0xd: {  	p0 =	por $0x0, $0x0;
	[sflag:s7] =	ssyncpa.u1 $0x0;
	s7 =	sor.u32 $0x1, s5  }
.LBB1_4:
0xe: {  	s16 =	sshll.u32 s13, $0x3;
	s17 =	sand.u32 $0x78, s13  }
0xf: {  	s30 =	sand.u32 $0x1F800, s13;
	s12 =	sshll.u32 s12, $0x11;
	s16 =	sand.u32 $0x3C00, s16  }
0x10: {  	[tilespmem:s15+$0x810 ss:$0x81] =	vst.msk $0xffff, v2;
	s31 =	sand.u32 $0x7, s13;
	s16 =	sor.u32 s17, s16;
	s17 =	sadd.s32 s3, s30  }
0x11: {  	[tilespmem:s15+$0x1020 ss:$0x81] =	vst.msk $0xffff, v0;
	s13 =	sshll.u32 s31, $0x12;
	s12 =	sadd.s32 s12, s17;
	s16 =	sshrl.u32 s16, $0x3  }
0x12: {  	[tilespmem:s15+$0x0 ss:$0x81] =	vst.msk $0xffff, v1;
	s13 =	sor.u32 $0x400, s13;
	s12 =	sadd.s32 s16, s12  }
0x13: {  	[hbm4b:s12+s13] =	stream.strided.scatter [tilespmem:s14], [sflag:$0x2], $0x2000, s8, s13, $0x20;
	[tilespmem:$0x8080] =	vst v63  }
.LBB1_5:
0x14: {  	s14 =	sadd.s32 $0x1, s9  }
0x15: {  	s12 =	sadd.s32 $0x1000, s10;
	s16 =	smov.u32 s10;
	p2 =	sgt.s32 s14, $0x31  }
0x16: {  	s16 =	smov.u32 @p2 s12  }
0x17: {  	s14 =	simm.s32 @p2 $0x0;
	p2 =	sgt.s32 s16, $0x3FFF  }
0x18: {  	s16 =	smov.u32 @p2 s2;
	p2 =	sne.s32 s11, s7  }
.Ltmp1:
0x19: {  	p1 =	slt.u32 s11, $0x2;
	(pc) =	sbr.rel @!p2 .LBB1_6-.Ltmp1, $4  }
0x1a: {  	s15 =	simm.s32 @!p1 $0x2  }
0x1b: {  	s13 =	smov.u32 s10;
	p0 =	por !p0, !p0;
	_ =	swait.ge @!p1 [sflag:s15], $0x2000  }
0x1c: {  	s12 =	smov.u32 s9;
	[sflag:s15] =	ssyncset.done @!p1 $0x0;
	s9 =	smov.u32 s14  }
0x1d: {  	s11 =	sadd.s32 $0x1, s11;
	[sflag:s15] =	ssyncadd.s32 @!p1 $0xFFFFE000;
	s10 =	smov.u32 s16  }
.LBB1_1:
0x1e: {  	p1 =	sge.u32 s11, s5  }
0x1f: {  	s14 =	sand.u32 @!p1 $0x1FFFFFF, s9  }
0x20: {  	s15 =	smulhi.u32 @!p1 $0x4924925, s14;
	_ =	sdelay $0x1  }
0x21: {  	s15 =	smul.u32 @!p1 $0x38, s15  }
0x22: {  	s16 =	sxor.u32 @!p1 $0xFFFFFFFF, s11;
	s17 =	smul.u32 @!p1 $0x380, s10  }
0x23: {  	s31 =	sadd.s32 $0xFFFFFFFF, s11;
	s16 =	sshll.u32 @!p1 s16, $0xD;
	s14 =	ssub.s32 @!p1 s14, s15  }
0x24: {  	s15 =	sand.u32 @!p1 $0x2000, s16;
	s16 =	sadd.s32 @!p1 s6, s17;
	s14 =	sshll.u32 @!p1 s14, $0x4  }
0x25: {  	s17 =	simm.s32 @!p1 $0x1C00;
	s14 =	sadd.s32 @!p1 s14, s16;
	s16 =	simm.s32 @!p1 $0x40  }
0x26: {  	[tilespmem:s15], [sflag:$0x1] =	stream.strided.gather @!p1 [hbm4b:s14+s16], $0x2000, s17, s16, $0x38;
	[tilespmem:$0x8080] =	vst v63  }
0x27: {  	p1 =	sge.u32 s31, s5  }
.Ltmp2:
0x28: {  	_ = 	snop;
	(pc) =	sbr.rel @p1 .LBB1_5-.Ltmp2, $1  }
0x29: {  	_ =	sdelay $0x3  }
0x2a: {  	s14 =	simm.s32 $0x1  }
0x2b: {  	_ =	swait.ge [sflag:s4], $0x2000;
	s14 =	simm.s32 @!p0 $0x0  }
0x2c: {  	[sflag:s4] =	ssyncset.done $0x0;
	s15 =	sshll.u32 s14, $0xD  }
0x2d: {  	[sflag:s4] =	ssyncadd.s32 $0xFFFFE000;
	s18 =	sor.u32 $0x20, s15  }
0x2e: {  	s14 =	smul.u32 $0x8100, s14;
	v3 =	vld [tilespmem:s18+$0x10]  }
0x2f: {  	s30 =	sand.u32 $0x1, s11;
	v2 =	vld [tilespmem:s18+$0xFFFFFFF0]  }
0x30: {  	s15 =	smul.u32 $0x8100, s30;
	s14 =	sshrl.u32 s14, $0x2;
	v0 =	vld [tilespmem:s18+$0x0]  }
0x31: {  	v1 =	vld [tilespmem:s18+$0xFFFFFFE0];
	s16 =	sor.u32 $0x4000, s14  }
0x32: {  	s31 =	sshrl.u32 s15, $0x2;
	s15 =	sadd.s32 $0x0, s16  }
0x33: {  	s17 =	simm.s32 $0x4;
	s18 =	sadd.s32 $0x40, s18;
	s14 =	sor.u32 $0x4000, s31;
	[tilespmem:s15+$0x1830 ss:$0x81] =	vst.msk $0xffff, v3  }
.LBB1_3:
0x34: {  	v3 =	vld [tilespmem:s18+$0x10];
	p1 =	sne.s32 s17, $0x1FC;
	[tilespmem:s15+$0x810 ss:$0x81] =	vst.msk $0xffff, v2;
	s19 =	smov.u32 s17;
	s17 =	sadd.s32 $0x4, s17  }
.Ltmp3:
0x35: {  	v2 =	vld [tilespmem:s18+$0xFFFFFFF0];
	[tilespmem:s15+$0x1020 ss:$0x81] =	vst.msk $0xffff, v0;
	(pc) =	sbr.rel @p1 .LBB1_3-.Ltmp3, $4  }
0x36: {  	v0 =	vld [tilespmem:s18+$0x0];
	[tilespmem:s15+$0x0 ss:$0x81] =	vst.msk $0xffff, v1  }
0x37: {  	s15 =	sshra.s32 s19, $0x2;
	v1 =	vld [tilespmem:s18+$0xFFFFFFE0]  }
0x38: {  	s15 =	sadd.s32 s15, s16  }
0x39: {  	s18 =	sadd.s32 $0x40, s18;
	[tilespmem:s15+$0x1830 ss:$0x81] =	vst.msk $0xffff, v3  }
.Ltmp4:
0x3a: {  	_ = 	snop;
	(pc) =	sbr.rel .LBB1_4-.Ltmp4, $1  }
0x3b: {  	_ =	sdelay $0x3  }
.LBB1_6:
0x3c: {  	_ =	sfence.sel $0x180000  }
0x3d: {  	s2 =	simm.s32 $0x1;
	[bflag:$0x0] =	sbarrier.arrive $0xFFFF  }
0x3e: {  	s31 =	simm.s32 $0x2;
	[sflag:s2] =	ssyncpa.u1 $0x1  }
0x3f: {  	[sflag:s31] =	ssyncpa.u1 $0x1  }
0x40: {  	p0 =	sne.s32 s0, $0x0;
	_ =	strace $0x9000004A  }
0x41: {  	s0 =	sadd.s32 @!p0 $0x100000, s1;
	[bflag:$0x2] =	sbarrier.arrive $0xFFFF  }
0x42: {  	[sflag:s0] =	ssyncadd.tile.s32 @!p0 $0x1;
	_ =	shalt  }
.Lfunc_end1:
_tile_overlayer_lowered:
.L_overlay_start_2:
0x43: {  	(tag) =	ssettag $0x2  }
0x44: {  	s0 =	rddreg [dreg:$0x0];
	s2 =	stileid.u32  }
0x45: {  	s1 =	rddreg [dreg:$0x1];
	p0 =	sne.s32 s2, $0x0  }
0x46: {  	s3 =	rddreg [dreg:$0x2];
	[bflag:$0x3] =	sbarrier.arrive $0xFFFF;
	s2 =	simm.s32 @!p0 $0x1C01  }
0x47: {  	[timem:s3], [sflag:s2] =	dma.local @!p0 [hbm:s0], s1  }
0x48: {  	s0 =	simm.s32 @!p0 $0x1  }
0x49: {  	_ =	swait.ge @!p0 [sflag:s0], s1  }
0x4a: {  	s1 =	ssub.s32 @!p0 $0x0, s1;
	[sflag:s0] =	ssyncset.done @!p0 $0x0  }
0x4b: {  	[sflag:s0] =	ssyncadd.s32 @!p0 s1  }
0x4c: {  	[bflag:$0x3] =	sbarrier.arrive $0xFFFF  }
0x4d: {  	_ =	shalt  }

</sc_bundles>
